<compile_context>
chip_gen: v7x
topology: tpu7x:2x2x1
jax: 0.10.2.dev20260603
libtpu: 0.0.44.dev20260713+nightly
codegen_flags: <defaults>
</compile_context>

<pallas_src>
import functools

import jax
import jax.numpy as jnp
from jax import lax
from jax.experimental import pallas as pl
from jax.experimental.pallas import tpu as pltpu
from jax.experimental.pallas import tpu_sc as plsc

_NC = 2
_NS = 16
_NW = _NC * _NS
_L = 16
_CH = 128
_DEGW = 16


def _sc_mesh():
    return plsc.VectorSubcoreMesh(core_axis_name="c", subcore_axis_name="s")


def _rows_per_sub(n):
    return 8 * (-(-(-(-n // 8)) // _NS))


def _sub_base(sid, n, rp):
    return pl.multiple_of(jnp.minimum(sid * rp, n - rp), 8)


def _zero_acc(zeros_v, acc, base_n, rp):
    full, tail = divmod(rp, _CH)
    for j in range(full):
        pltpu.sync_copy(zeros_v.at[pl.ds(0, _CH)],
                        acc.at[pl.ds(pl.multiple_of(base_n + j * _CH, 8), _CH)])
    if tail:
        pltpu.sync_copy(zeros_v.at[pl.ds(0, tail)],
                        acc.at[pl.ds(pl.multiple_of(base_n + full * _CH, 8), tail)])


def _writeback(acc, out_hbm, cid, base_n, rp):
    full, tail = divmod(rp, _CH)
    for j in range(full):
        r0 = pl.multiple_of(base_n + j * _CH, 8)
        pltpu.sync_copy(acc.at[pl.ds(r0, _CH)], out_hbm.at[cid, pl.ds(r0, _CH)])
    if tail:
        r0 = pl.multiple_of(base_n + full * _CH, 8)
        pltpu.sync_copy(acc.at[pl.ds(r0, tail)], out_hbm.at[cid, pl.ds(r0, tail)])


def _make_deg(n, e):
    ew = e // _NW
    n_full, tail = divmod(ew, _CH)
    rp = _rows_per_sub(n)

    @functools.partial(
        pl.kernel,
        mesh=_sc_mesh(),
        compiler_params=pltpu.CompilerParams(use_tc_tiling_on_sc=False),
        out_type=jax.ShapeDtypeStruct((_NC, n, _DEGW), jnp.float32),
        scratch_types=[
            pltpu.VMEM((_CH,), jnp.int32),
            pltpu.VMEM((max(tail, 1),), jnp.int32),
            pltpu.VMEM((_CH, _DEGW), jnp.float32),
            pltpu.VMEM((_CH, _DEGW), jnp.float32),
            pltpu.VMEM_SHARED((n, _DEGW), jnp.float32),
        ],
    )
    def deg_kernel(col_hbm, out_hbm, idxc, idxc_t, ones_v, zeros_v, acc):
        cid = lax.axis_index("c")
        sid = lax.axis_index("s")
        wid = sid * _NC + cid

        ones = jnp.ones((_L,), jnp.float32)
        zero = jnp.zeros((_L,), jnp.float32)

        def fill(i, _):
            ones_v[i, pl.ds(0, _L)] = ones
            zeros_v[i, pl.ds(0, _L)] = zero
            return 0

        lax.fori_loop(0, _CH, fill, 0)

        base_n = _sub_base(sid, n, rp)
        _zero_acc(zeros_v, acc, base_n, rp)
        plsc.subcore_barrier()

        ebase = wid * ew

        def step(k, _):
            off = pl.multiple_of(ebase + k * _CH, 8)
            pltpu.sync_copy(col_hbm.at[pl.ds(off, _CH)], idxc)
            pltpu.sync_copy(ones_v, acc.at[idxc], add=True)
            return 0

        lax.fori_loop(0, n_full, step, 0)
        if tail:
            off = pl.multiple_of(ebase + n_full * _CH, 8)
            pltpu.sync_copy(col_hbm.at[pl.ds(off, tail)], idxc_t)
            pltpu.sync_copy(ones_v.at[pl.ds(0, tail)], acc.at[idxc_t], add=True)
        plsc.subcore_barrier()

        _writeback(acc, out_hbm, cid, base_n, rp)

    return deg_kernel


def _make_agg(n, d, e):
    ew = e // _NW
    n_full, tail = divmod(ew, _CH)
    rp = _rows_per_sub(n)

    @functools.partial(
        pl.kernel,
        mesh=_sc_mesh(),
        compiler_params=pltpu.CompilerParams(use_tc_tiling_on_sc=False),
        out_type=jax.ShapeDtypeStruct((_NC, n, d), jnp.float32),
        scratch_types=[
            pltpu.VMEM((_CH,), jnp.int32),
            pltpu.VMEM((_CH,), jnp.int32),
            pltpu.VMEM((max(tail, 1),), jnp.int32),
            pltpu.VMEM((max(tail, 1),), jnp.int32),
            pltpu.VMEM((_CH, d), jnp.float32),
            pltpu.VMEM_SHARED((n, d), jnp.float32),
            pltpu.SemaphoreType.DMA,
        ],
    )
    def agg_kernel(g_hbm, row_hbm, col_hbm, out_hbm,
                   idxr, idxc, idxr_t, idxc_t, rows_v, acc, sem):
        cid = lax.axis_index("c")
        sid = lax.axis_index("s")
        wid = sid * _NC + cid

        zero = jnp.zeros((_L,), jnp.float32)

        def zrow(i, _):
            def zcol(j, _):
                rows_v[i, pl.ds(j * _L, _L)] = zero
                return 0
            return lax.fori_loop(0, d // _L, zcol, 0)

        lax.fori_loop(0, _CH, zrow, 0)

        base_n = _sub_base(sid, n, rp)
        _zero_acc(rows_v, acc, base_n, rp)
        plsc.subcore_barrier()

        ebase = wid * ew

        def step(k, _):
            off = pl.multiple_of(ebase + k * _CH, 8)
            pltpu.sync_copy(row_hbm.at[pl.ds(off, _CH)], idxr)
            pltpu.sync_copy(col_hbm.at[pl.ds(off, _CH)], idxc)
            pltpu.async_copy(g_hbm.at[idxr], rows_v, sem).wait()
            pltpu.sync_copy(rows_v, acc.at[idxc], add=True)
            return 0

        lax.fori_loop(0, n_full, step, 0)
        if tail:
            off = pl.multiple_of(ebase + n_full * _CH, 8)
            pltpu.sync_copy(row_hbm.at[pl.ds(off, tail)], idxr_t)
            pltpu.sync_copy(col_hbm.at[pl.ds(off, tail)], idxc_t)
            pltpu.async_copy(g_hbm.at[idxr_t], rows_v.at[pl.ds(0, tail)], sem).wait()
            pltpu.sync_copy(rows_v.at[pl.ds(0, tail)], acc.at[idxc_t], add=True)
        plsc.subcore_barrier()

        _writeback(acc, out_hbm, cid, base_n, rp)

    return agg_kernel


_BN = 1000


def _mm_scale(x, w, degp):
    n, d_in = x.shape
    d_h = w.shape[1]

    def body(x_ref, w_ref, dp_ref, g_ref, dinv_ref):
        deg = dp_ref[0, :, 0:1] + dp_ref[1, :, 0:1]
        pos = deg > 0.0
        dinv = jnp.where(pos, lax.rsqrt(jnp.where(pos, deg, 1.0)), 0.0)
        h = jnp.dot(x_ref[...], w_ref[...], preferred_element_type=jnp.float32)
        g_ref[...] = h * dinv
        dinv_ref[...] = dinv

    return pl.pallas_call(
        body,
        grid=(n // _BN,),
        in_specs=[
            pl.BlockSpec((_BN, d_in), lambda i: (i, 0)),
            pl.BlockSpec((d_in, d_h), lambda i: (0, 0)),
            pl.BlockSpec((_NC, _BN, _DEGW), lambda i: (0, i, 0)),
        ],
        out_specs=[
            pl.BlockSpec((_BN, d_h), lambda i: (i, 0)),
            pl.BlockSpec((_BN, 1), lambda i: (i, 0)),
        ],
        out_shape=[
            jax.ShapeDtypeStruct((n, d_h), jnp.float32),
            jax.ShapeDtypeStruct((n, 1), jnp.float32),
        ],
    )(x, w, degp)


def _mid_layer(parts, dinv, b, w):
    d_h = parts.shape[2]
    n = parts.shape[1]
    d_out = w.shape[1]

    def body(p_ref, dinv_ref, b_ref, w_ref, o_ref):
        h = (p_ref[0] + p_ref[1]) * dinv_ref[...] + b_ref[...]
        h = jnp.maximum(h, 0.0)
        o_ref[...] = jnp.dot(h, w_ref[...],
                             preferred_element_type=jnp.float32) * dinv_ref[...]

    return pl.pallas_call(
        body,
        grid=(n // _BN,),
        in_specs=[
            pl.BlockSpec((_NC, _BN, d_h), lambda i: (0, i, 0)),
            pl.BlockSpec((_BN, 1), lambda i: (i, 0)),
            pl.BlockSpec((1, d_h), lambda i: (0, 0)),
            pl.BlockSpec((d_h, d_out), lambda i: (0, 0)),
        ],
        out_specs=pl.BlockSpec((_BN, d_out), lambda i: (i, 0)),
        out_shape=jax.ShapeDtypeStruct((n, d_out), jnp.float32),
    )(parts, dinv, b, w)


def _final_layer(parts, dinv, b):
    n = parts.shape[1]
    d_out = parts.shape[2]

    def body(p_ref, dinv_ref, b_ref, o_ref):
        h = (p_ref[0] + p_ref[1]) * dinv_ref[...] + b_ref[...]
        m = jnp.max(h, axis=1, keepdims=True)
        ex = jnp.exp(h - m)
        s = jnp.sum(ex, axis=1, keepdims=True)
        o_ref[...] = h - m - jnp.log(s)

    return pl.pallas_call(
        body,
        grid=(n // _BN,),
        in_specs=[
            pl.BlockSpec((_NC, _BN, d_out), lambda i: (0, i, 0)),
            pl.BlockSpec((_BN, 1), lambda i: (i, 0)),
            pl.BlockSpec((1, d_out), lambda i: (0, 0)),
        ],
        out_specs=pl.BlockSpec((_BN, d_out), lambda i: (i, 0)),
        out_shape=jax.ShapeDtypeStruct((n, d_out), jnp.float32),
    )(parts, dinv, b)


def kernel(x, edge_index, W1, b1, W2, b2):
    n, _ = x.shape
    e = edge_index.shape[1]
    row = edge_index[0]
    col = edge_index[1]

    degp = _make_deg(n, e)(col)
    g1, dinv = _mm_scale(x, W1, degp)
    p1 = _make_agg(n, W1.shape[1], e)(g1, row, col)
    g2 = _mid_layer(p1, dinv, b1.reshape(1, -1), W2)
    p2 = _make_agg(n, W2.shape[1], e)(g2, row, col)
    return _final_layer(p2, dinv, b2.reshape(1, -1))

# --- scband reference (transcript-rebuilt; emitter-appended) ---
"""Pipeline reference for scband-gcnmodel-4947802325326 (READ-ONLY COPY).

The authoritative reference and input builder live on the scoring server;
editing this copy changes nothing except your own understanding.
"""

import jax, jax.numpy as jnp
import numpy as np

N = 10000
E = 320000
D_IN = 128
D_H = 64
D_OUT = 128


def setup_inputs(seed: int = 0) -> dict:
    key = jax.random.key(seed)
    ks = jax.random.split(key, 6)
    x = jax.random.normal(ks[0], (N, D_IN), dtype=jnp.float32)
    edge_index = jax.random.randint(ks[1], (2, E), 0, N, dtype=jnp.int32)
    W1 = jax.random.normal(ks[2], (D_IN, D_H), dtype=jnp.float32) * (1.0 / np.sqrt(D_IN))
    b1 = jnp.zeros((D_H,), dtype=jnp.float32)
    W2 = jax.random.normal(ks[3], (D_H, D_OUT), dtype=jnp.float32) * (1.0 / np.sqrt(D_H))
    b2 = jnp.zeros((D_OUT,), dtype=jnp.float32)
    return {"x": x, "edge_index": edge_index, "W1": W1, "b1": b1, "W2": W2, "b2": b2}


def _gcn_conv(x, edge_index, W, b):
    # PyG GCNConv with add_self_loops=False, edge_weight = ones.
    row = edge_index[0]
    col = edge_index[1]
    h = x @ W
    deg = jnp.zeros((N,), dtype=h.dtype).at[col].add(1.0)
    deg_safe = jnp.where(deg > 0, deg, 1.0)
    dinv = jnp.where(deg > 0, deg_safe ** -0.5, 0.0)
    norm = dinv[row] * dinv[col]
    msg = h[row] * norm[:, None]
    out = jnp.zeros((N, h.shape[1]), dtype=h.dtype).at[col].add(msg)
    return out + b


def reference(x, edge_index, W1, b1, W2, b2):
    h = _gcn_conv(x, edge_index, W1, b1)
    h = jax.nn.relu(h)
    h = _gcn_conv(h, edge_index, W2, b2)
    return jax.nn.log_softmax(h, axis=1)

if __name__ == "__main__":
    import jax
    _d = setup_inputs()
    print(jax.jit(kernel)(*tuple(_d.values())))

</pallas_src>

<mosaic_0001>
#map = affine_map<(d0, d1) -> (0)>
#map1 = affine_map<(d0, d1) -> (0, 0, 0)>
module attributes {stable_mosaic.version = 14 : i64} {
  func.func @deg_kernel(%arg0: i32, %arg1: i32, %arg2: memref<320000xi32, #tpu.memory_space<hbm>>, %arg3: memref<2x10000x16xf32, #tpu.memory_space<hbm>>, %arg4: memref<128xi32, #tpu.memory_space<vmem>>, %arg5: memref<16xi32, #tpu.memory_space<vmem>>, %arg6: memref<128x16xf32, #tpu.memory_space<vmem>>, %arg7: memref<128x16xf32, #tpu.memory_space<vmem>>, %arg8: memref<10000x16xf32, #tpu.memory_space<vmem_shared>>) attributes {dimension_semantics = [#tpu.dimension_semantics<core_parallel>, #tpu.dimension_semantics<subcore_parallel>], iteration_bounds = array<i64: 2, 16>, scalar_prefetch = 0 : i64, scratch_operands = 5 : i64, tpu.core_type = #tpu.core_type<sc_vector_subcore>, window_params = [{transform_indices = #map}, {transform_indices = #map1}]} {
    %mul3A = arith.constant 2 : i32
    %mul3A_0 = arith.muli %arg1, %mul3A : i32
    %add3A = arith.addi %mul3A_0, %arg0 : i32
    %broadcast_in_dim3A = arith.constant 1.000000e+00 : f32
    %broadcast_in_dim3A_1 = vector.broadcast %broadcast_in_dim3A : f32 to vector<16xf32>
    %broadcast_in_dim3A_2 = arith.constant 0.000000e+00 : f32
    %broadcast_in_dim3A_3 = vector.broadcast %broadcast_in_dim3A_2 : f32 to vector<16xf32>
    %scan3A = arith.constant 0 : i32
    %scan3A_4 = arith.constant 0 : i32
    %scan3A_5 = arith.constant 128 : i32
    %scan3A_6 = arith.addi %scan3A_4, %scan3A_5 : i32
    %scan3A_7 = arith.constant 1 : i32
    %scan3A_8 = scf.for %scan3A_56 = %scan3A_4 to %scan3A_6 step %scan3A_7 iter_args(%scan3A_57 = %scan3A) -> (i32)  : i32 {
      %swap3A = arith.index_cast %scan3A_56 : i32 to index
      %swap3A_58 = arith.constant 0 : index
      %swap3A_59 = tpu.vector_load %arg6[%swap3A, %swap3A_58] {strides = array<i32>} : memref<128x16xf32, #tpu.memory_space<vmem>>, vector<1x16xf32>,
      %swap3A_60 = vector.shape_cast %swap3A_59 : vector<1x16xf32> to vector<16xf32>
      %swap3A_61 = vector.shape_cast %broadcast_in_dim3A_1 : vector<16xf32> to vector<1x16xf32>
      tpu.vector_store %arg6[%swap3A, %swap3A_58], %swap3A_61 {strides = array<i32>} : memref<128x16xf32, #tpu.memory_space<vmem>>, vector<1x16xf32>,
      %swap3A_62 = arith.index_cast %scan3A_56 : i32 to index
      %swap3A_63 = arith.constant 0 : index
      %swap3A_64 = tpu.vector_load %arg7[%swap3A_62, %swap3A_63] {strides = array<i32>} : memref<128x16xf32, #tpu.memory_space<vmem>>, vector<1x16xf32>,
      %swap3A_65 = vector.shape_cast %swap3A_64 : vector<1x16xf32> to vector<16xf32>
      %swap3A_66 = vector.shape_cast %broadcast_in_dim3A_3 : vector<16xf32> to vector<1x16xf32>
      tpu.vector_store %arg7[%swap3A_62, %swap3A_63], %swap3A_66 {strides = array<i32>} : memref<128x16xf32, #tpu.memory_space<vmem>>, vector<1x16xf32>,
      %scan3A_67 = arith.constant 0 : i32
      scf.yield %scan3A_67 : i32
    }
    %scan3A_9 = arith.constant 128 : i32
    %mul3A_10 = arith.constant 632 : i32
    %mul3A_11 = arith.muli %arg1, %mul3A_10 : i32
    %min3A = arith.constant 9368 : i32
    %min3A_12 = arith.minsi %mul3A_11, %min3A : i32
    %multiple_of3A = tpu.assume_multiple %min3A_12, 8 : i32
    %add3A_13 = arith.constant 0 : i32
    %add3A_14 = arith.addi %multiple_of3A, %add3A_13 : i32
    %multiple_of3A_15 = tpu.assume_multiple %add3A_14, 8 : i32
    "tpu.region"() ({
      %run_scoped3A = tpu.sem_alloc : memref<!tpu.dma_semaphore, #tpu.memory_space<semaphore_mem>>
      %dma_start3A = arith.constant 0 : i32
      %dma_start3A_56 = arith.constant 0 : i32
      %dma_start3A_57 = tpu.memref_slice %arg7[%dma_start3A, %dma_start3A_56] : memref<128x16xf32, #tpu.memory_space<vmem>> -> memref<128x16xf32, #tpu.memory_space<vmem>>
      %dma_start3A_58 = arith.constant 0 : i32
      %dma_start3A_59 = tpu.memref_slice %arg8[%multiple_of3A_15, %dma_start3A_58] : memref<10000x16xf32, #tpu.memory_space<vmem_shared>> -> memref<128x16xf32, #tpu.memory_space<vmem_shared>>
      %dma_start3A_60 = arith.constant 0 : i32
      %dma_start3A_61 = tpu.memref_slice %arg8[%multiple_of3A_15, %dma_start3A_60] : memref<10000x16xf32, #tpu.memory_space<vmem_shared>> -> memref<128x16xf32, #tpu.memory_space<vmem_shared>>
      %dma_start3A_62 = arith.constant 0 : i32
      %dma_start3A_63 = arith.constant 0 : i32
      %dma_start3A_64 = tpu.memref_slice %arg7[%dma_start3A_62, %dma_start3A_63] : memref<128x16xf32, #tpu.memory_space<vmem>> -> memref<128x16xf32, #tpu.memory_space<vmem>>
      tpu.enqueue_dma source(%dma_start3A_64 : memref<128x16xf32, #tpu.memory_space<vmem>>) target(%dma_start3A_61 : memref<128x16xf32, #tpu.memory_space<vmem_shared>>) target_semaphore(%run_scoped3A : memref<!tpu.dma_semaphore, #tpu.memory_space<semaphore_mem>>)
      %dma_wait3A = arith.constant 0 : i32
      %dma_wait3A_65 = arith.constant 0 : i32
      %dma_wait3A_66 = tpu.memref_slice %arg7[%dma_wait3A, %dma_wait3A_65] : memref<128x16xf32, #tpu.memory_space<vmem>> -> memref<128x16xf32, #tpu.memory_space<vmem>>
      %dma_wait3A_67 = arith.constant 0 : i32
      %dma_wait3A_68 = tpu.memref_slice %arg8[%multiple_of3A_15, %dma_wait3A_67] : memref<10000x16xf32, #tpu.memory_space<vmem_shared>> -> memref<128x16xf32, #tpu.memory_space<vmem_shared>>
      %dma_wait3A_69 = arith.constant 0 : i32
      %dma_wait3A_70 = tpu.memref_slice %arg8[%multiple_of3A_15, %dma_wait3A_69] : memref<10000x16xf32, #tpu.memory_space<vmem_shared>> -> memref<128x16xf32, #tpu.memory_space<vmem_shared>>
      %dma_wait3A_71 = arith.constant 0 : i32
      %dma_wait3A_72 = arith.constant 0 : i32
      %dma_wait3A_73 = tpu.memref_slice %arg7[%dma_wait3A_71, %dma_wait3A_72] : memref<128x16xf32, #tpu.memory_space<vmem>> -> memref<128x16xf32, #tpu.memory_space<vmem>>
      tpu.wait_dma2 semaphore(%run_scoped3A : memref<!tpu.dma_semaphore, #tpu.memory_space<semaphore_mem>>) src(%dma_wait3A_73 : memref<128x16xf32, #tpu.memory_space<vmem>>) dst(%dma_wait3A_70 : memref<128x16xf32, #tpu.memory_space<vmem_shared>>)
      tpu.yield
    }) : () -> ()
    %add3A_16 = arith.constant 128 : i32
    %add3A_17 = arith.addi %multiple_of3A, %add3A_16 : i32
    %multiple_of3A_18 = tpu.assume_multiple %add3A_17, 8 : i32
    "tpu.region"() ({
      %run_scoped3A = tpu.sem_alloc : memref<!tpu.dma_semaphore, #tpu.memory_space<semaphore_mem>>
      %dma_start3A = arith.constant 0 : i32
      %dma_start3A_56 = arith.constant 0 : i32
      %dma_start3A_57 = tpu.memref_slice %arg7[%dma_start3A, %dma_start3A_56] : memref<128x16xf32, #tpu.memory_space<vmem>> -> memref<128x16xf32, #tpu.memory_space<vmem>>
      %dma_start3A_58 = arith.constant 0 : i32
      %dma_start3A_59 = tpu.memref_slice %arg8[%multiple_of3A_18, %dma_start3A_58] : memref<10000x16xf32, #tpu.memory_space<vmem_shared>> -> memref<128x16xf32, #tpu.memory_space<vmem_shared>>
      %dma_start3A_60 = arith.constant 0 : i32
      %dma_start3A_61 = tpu.memref_slice %arg8[%multiple_of3A_18, %dma_start3A_60] : memref<10000x16xf32, #tpu.memory_space<vmem_shared>> -> memref<128x16xf32, #tpu.memory_space<vmem_shared>>
      %dma_start3A_62 = arith.constant 0 : i32
      %dma_start3A_63 = arith.constant 0 : i32
      %dma_start3A_64 = tpu.memref_slice %arg7[%dma_start3A_62, %dma_start3A_63] : memref<128x16xf32, #tpu.memory_space<vmem>> -> memref<128x16xf32, #tpu.memory_space<vmem>>
      tpu.enqueue_dma source(%dma_start3A_64 : memref<128x16xf32, #tpu.memory_space<vmem>>) target(%dma_start3A_61 : memref<128x16xf32, #tpu.memory_space<vmem_shared>>) target_semaphore(%run_scoped3A : memref<!tpu.dma_semaphore, #tpu.memory_space<semaphore_mem>>)
      %dma_wait3A = arith.constant 0 : i32
      %dma_wait3A_65 = arith.constant 0 : i32
      %dma_wait3A_66 = tpu.memref_slice %arg7[%dma_wait3A, %dma_wait3A_65] : memref<128x16xf32, #tpu.memory_space<vmem>> -> memref<128x16xf32, #tpu.memory_space<vmem>>
      %dma_wait3A_67 = arith.constant 0 : i32
      %dma_wait3A_68 = tpu.memref_slice %arg8[%multiple_of3A_18, %dma_wait3A_67] : memref<10000x16xf32, #tpu.memory_space<vmem_shared>> -> memref<128x16xf32, #tpu.memory_space<vmem_shared>>
      %dma_wait3A_69 = arith.constant 0 : i32
      %dma_wait3A_70 = tpu.memref_slice %arg8[%multiple_of3A_18, %dma_wait3A_69] : memref<10000x16xf32, #tpu.memory_space<vmem_shared>> -> memref<128x16xf32, #tpu.memory_space<vmem_shared>>
      %dma_wait3A_71 = arith.constant 0 : i32
      %dma_wait3A_72 = arith.constant 0 : i32
      %dma_wait3A_73 = tpu.memref_slice %arg7[%dma_wait3A_71, %dma_wait3A_72] : memref<128x16xf32, #tpu.memory_space<vmem>> -> memref<128x16xf32, #tpu.memory_space<vmem>>
      tpu.wait_dma2 semaphore(%run_scoped3A : memref<!tpu.dma_semaphore, #tpu.memory_space<semaphore_mem>>) src(%dma_wait3A_73 : memref<128x16xf32, #tpu.memory_space<vmem>>) dst(%dma_wait3A_70 : memref<128x16xf32, #tpu.memory_space<vmem_shared>>)
      tpu.yield
    }) : () -> ()
    %add3A_19 = arith.constant 256 : i32
    %add3A_20 = arith.addi %multiple_of3A, %add3A_19 : i32
    %multiple_of3A_21 = tpu.assume_multiple %add3A_20, 8 : i32
    "tpu.region"() ({
      %run_scoped3A = tpu.sem_alloc : memref<!tpu.dma_semaphore, #tpu.memory_space<semaphore_mem>>
      %dma_start3A = arith.constant 0 : i32
      %dma_start3A_56 = arith.constant 0 : i32
      %dma_start3A_57 = tpu.memref_slice %arg7[%dma_start3A, %dma_start3A_56] : memref<128x16xf32, #tpu.memory_space<vmem>> -> memref<128x16xf32, #tpu.memory_space<vmem>>
      %dma_start3A_58 = arith.constant 0 : i32
      %dma_start3A_59 = tpu.memref_slice %arg8[%multiple_of3A_21, %dma_start3A_58] : memref<10000x16xf32, #tpu.memory_space<vmem_shared>> -> memref<128x16xf32, #tpu.memory_space<vmem_shared>>
      %dma_start3A_60 = arith.constant 0 : i32
      %dma_start3A_61 = tpu.memref_slice %arg8[%multiple_of3A_21, %dma_start3A_60] : memref<10000x16xf32, #tpu.memory_space<vmem_shared>> -> memref<128x16xf32, #tpu.memory_space<vmem_shared>>
      %dma_start3A_62 = arith.constant 0 : i32
      %dma_start3A_63 = arith.constant 0 : i32
      %dma_start3A_64 = tpu.memref_slice %arg7[%dma_start3A_62, %dma_start3A_63] : memref<128x16xf32, #tpu.memory_space<vmem>> -> memref<128x16xf32, #tpu.memory_space<vmem>>
      tpu.enqueue_dma source(%dma_start3A_64 : memref<128x16xf32, #tpu.memory_space<vmem>>) target(%dma_start3A_61 : memref<128x16xf32, #tpu.memory_space<vmem_shared>>) target_semaphore(%run_scoped3A : memref<!tpu.dma_semaphore, #tpu.memory_space<semaphore_mem>>)
      %dma_wait3A = arith.constant 0 : i32
      %dma_wait3A_65 = arith.constant 0 : i32
      %dma_wait3A_66 = tpu.memref_slice %arg7[%dma_wait3A, %dma_wait3A_65] : memref<128x16xf32, #tpu.memory_space<vmem>> -> memref<128x16xf32, #tpu.memory_space<vmem>>
      %dma_wait3A_67 = arith.constant 0 : i32
      %dma_wait3A_68 = tpu.memref_slice %arg8[%multiple_of3A_21, %dma_wait3A_67] : memref<10000x16xf32, #tpu.memory_space<vmem_shared>> -> memref<128x16xf32, #tpu.memory_space<vmem_shared>>
      %dma_wait3A_69 = arith.constant 0 : i32
      %dma_wait3A_70 = tpu.memref_slice %arg8[%multiple_of3A_21, %dma_wait3A_69] : memref<10000x16xf32, #tpu.memory_space<vmem_shared>> -> memref<128x16xf32, #tpu.memory_space<vmem_shared>>
      %dma_wait3A_71 = arith.constant 0 : i32
      %dma_wait3A_72 = arith.constant 0 : i32
      %dma_wait3A_73 = tpu.memref_slice %arg7[%dma_wait3A_71, %dma_wait3A_72] : memref<128x16xf32, #tpu.memory_space<vmem>> -> memref<128x16xf32, #tpu.memory_space<vmem>>
      tpu.wait_dma2 semaphore(%run_scoped3A : memref<!tpu.dma_semaphore, #tpu.memory_space<semaphore_mem>>) src(%dma_wait3A_73 : memref<128x16xf32, #tpu.memory_space<vmem>>) dst(%dma_wait3A_70 : memref<128x16xf32, #tpu.memory_space<vmem_shared>>)
      tpu.yield
    }) : () -> ()
    %add3A_22 = arith.constant 384 : i32
    %add3A_23 = arith.addi %multiple_of3A, %add3A_22 : i32
    %multiple_of3A_24 = tpu.assume_multiple %add3A_23, 8 : i32
    "tpu.region"() ({
      %run_scoped3A = tpu.sem_alloc : memref<!tpu.dma_semaphore, #tpu.memory_space<semaphore_mem>>
      %dma_start3A = arith.constant 0 : i32
      %dma_start3A_56 = arith.constant 0 : i32
      %dma_start3A_57 = tpu.memref_slice %arg7[%dma_start3A, %dma_start3A_56] : memref<128x16xf32, #tpu.memory_space<vmem>> -> memref<128x16xf32, #tpu.memory_space<vmem>>
      %dma_start3A_58 = arith.constant 0 : i32
      %dma_start3A_59 = tpu.memref_slice %arg8[%multiple_of3A_24, %dma_start3A_58] : memref<10000x16xf32, #tpu.memory_space<vmem_shared>> -> memref<128x16xf32, #tpu.memory_space<vmem_shared>>
      %dma_start3A_60 = arith.constant 0 : i32
      %dma_start3A_61 = tpu.memref_slice %arg8[%multiple_of3A_24, %dma_start3A_60] : memref<10000x16xf32, #tpu.memory_space<vmem_shared>> -> memref<128x16xf32, #tpu.memory_space<vmem_shared>>
      %dma_start3A_62 = arith.constant 0 : i32
      %dma_start3A_63 = arith.constant 0 : i32
      %dma_start3A_64 = tpu.memref_slice %arg7[%dma_start3A_62, %dma_start3A_63] : memref<128x16xf32, #tpu.memory_space<vmem>> -> memref<128x16xf32, #tpu.memory_space<vmem>>
      tpu.enqueue_dma source(%dma_start3A_64 : memref<128x16xf32, #tpu.memory_space<vmem>>) target(%dma_start3A_61 : memref<128x16xf32, #tpu.memory_space<vmem_shared>>) target_semaphore(%run_scoped3A : memref<!tpu.dma_semaphore, #tpu.memory_space<semaphore_mem>>)
      %dma_wait3A = arith.constant 0 : i32
      %dma_wait3A_65 = arith.constant 0 : i32
      %dma_wait3A_66 = tpu.memref_slice %arg7[%dma_wait3A, %dma_wait3A_65] : memref<128x16xf32, #tpu.memory_space<vmem>> -> memref<128x16xf32, #tpu.memory_space<vmem>>
      %dma_wait3A_67 = arith.constant 0 : i32
      %dma_wait3A_68 = tpu.memref_slice %arg8[%multiple_of3A_24, %dma_wait3A_67] : memref<10000x16xf32, #tpu.memory_space<vmem_shared>> -> memref<128x16xf32, #tpu.memory_space<vmem_shared>>
      %dma_wait3A_69 = arith.constant 0 : i32
      %dma_wait3A_70 = tpu.memref_slice %arg8[%multiple_of3A_24, %dma_wait3A_69] : memref<10000x16xf32, #tpu.memory_space<vmem_shared>> -> memref<128x16xf32, #tpu.memory_space<vmem_shared>>
      %dma_wait3A_71 = arith.constant 0 : i32
      %dma_wait3A_72 = arith.constant 0 : i32
      %dma_wait3A_73 = tpu.memref_slice %arg7[%dma_wait3A_71, %dma_wait3A_72] : memref<128x16xf32, #tpu.memory_space<vmem>> -> memref<128x16xf32, #tpu.memory_space<vmem>>
      tpu.wait_dma2 semaphore(%run_scoped3A : memref<!tpu.dma_semaphore, #tpu.memory_space<semaphore_mem>>) src(%dma_wait3A_73 : memref<128x16xf32, #tpu.memory_space<vmem>>) dst(%dma_wait3A_70 : memref<128x16xf32, #tpu.memory_space<vmem_shared>>)
      tpu.yield
    }) : () -> ()
    %add3A_25 = arith.constant 512 : i32
    %add3A_26 = arith.addi %multiple_of3A, %add3A_25 : i32
    %multiple_of3A_27 = tpu.assume_multiple %add3A_26, 8 : i32
    "tpu.region"() ({
      %run_scoped3A = tpu.sem_alloc : memref<!tpu.dma_semaphore, #tpu.memory_space<semaphore_mem>>
      %dma_start3A = arith.constant 0 : i32
      %dma_start3A_56 = arith.constant 0 : i32
      %dma_start3A_57 = tpu.memref_slice %arg7[%dma_start3A, %dma_start3A_56] : memref<128x16xf32, #tpu.memory_space<vmem>> -> memref<120x16xf32, #tpu.memory_space<vmem>>
      %dma_start3A_58 = arith.constant 0 : i32
      %dma_start3A_59 = tpu.memref_slice %arg8[%multiple_of3A_27, %dma_start3A_58] : memref<10000x16xf32, #tpu.memory_space<vmem_shared>> -> memref<120x16xf32, #tpu.memory_space<vmem_shared>>
      %dma_start3A_60 = arith.constant 0 : i32
      %dma_start3A_61 = tpu.memref_slice %arg8[%multiple_of3A_27, %dma_start3A_60] : memref<10000x16xf32, #tpu.memory_space<vmem_shared>> -> memref<120x16xf32, #tpu.memory_space<vmem_shared>>
      %dma_start3A_62 = arith.constant 0 : i32
      %dma_start3A_63 = arith.constant 0 : i32
      %dma_start3A_64 = tpu.memref_slice %arg7[%dma_start3A_62, %dma_start3A_63] : memref<128x16xf32, #tpu.memory_space<vmem>> -> memref<120x16xf32, #tpu.memory_space<vmem>>
      tpu.enqueue_dma source(%dma_start3A_64 : memref<120x16xf32, #tpu.memory_space<vmem>>) target(%dma_start3A_61 : memref<120x16xf32, #tpu.memory_space<vmem_shared>>) target_semaphore(%run_scoped3A : memref<!tpu.dma_semaphore, #tpu.memory_space<semaphore_mem>>)
      %dma_wait3A = arith.constant 0 : i32
      %dma_wait3A_65 = arith.constant 0 : i32
      %dma_wait3A_66 = tpu.memref_slice %arg7[%dma_wait3A, %dma_wait3A_65] : memref<128x16xf32, #tpu.memory_space<vmem>> -> memref<120x16xf32, #tpu.memory_space<vmem>>
      %dma_wait3A_67 = arith.constant 0 : i32
      %dma_wait3A_68 = tpu.memref_slice %arg8[%multiple_of3A_27, %dma_wait3A_67] : memref<10000x16xf32, #tpu.memory_space<vmem_shared>> -> memref<120x16xf32, #tpu.memory_space<vmem_shared>>
      %dma_wait3A_69 = arith.constant 0 : i32
      %dma_wait3A_70 = tpu.memref_slice %arg8[%multiple_of3A_27, %dma_wait3A_69] : memref<10000x16xf32, #tpu.memory_space<vmem_shared>> -> memref<120x16xf32, #tpu.memory_space<vmem_shared>>
      %dma_wait3A_71 = arith.constant 0 : i32
      %dma_wait3A_72 = arith.constant 0 : i32
      %dma_wait3A_73 = tpu.memref_slice %arg7[%dma_wait3A_71, %dma_wait3A_72] : memref<128x16xf32, #tpu.memory_space<vmem>> -> memref<120x16xf32, #tpu.memory_space<vmem>>
      tpu.wait_dma2 semaphore(%run_scoped3A : memref<!tpu.dma_semaphore, #tpu.memory_space<semaphore_mem>>) src(%dma_wait3A_73 : memref<120x16xf32, #tpu.memory_space<vmem>>) dst(%dma_wait3A_70 : memref<120x16xf32, #tpu.memory_space<vmem_shared>>)
      tpu.yield
    }) : () -> ()
    %barrier3A = arith.constant 0 : index
    tpu.barrier barrier_id(%barrier3A)
    %mul3A_28 = arith.constant 10000 : i32
    %mul3A_29 = arith.muli %add3A, %mul3A_28 : i32
    %scan3A_30 = arith.constant 0 : i32
    %scan3A_31 = arith.constant 0 : i32
    %scan3A_32 = arith.constant 78 : i32
    %scan3A_33 = arith.addi %scan3A_31, %scan3A_32 : i32
    %scan3A_34 = arith.constant 1 : i32
    %scan3A_35 = scf.for %scan3A_56 = %scan3A_31 to %scan3A_33 step %scan3A_34 iter_args(%scan3A_57 = %scan3A_30) -> (i32)  : i32 {
      %mul3A_58 = arith.constant 128 : i32
      %mul3A_59 = arith.muli %scan3A_56, %mul3A_58 : i32
      %add3A_60 = arith.addi %mul3A_29, %mul3A_59 : i32
      %multiple_of3A_61 = tpu.assume_multiple %add3A_60, 8 : i32
      "tpu.region"() ({
        %run_scoped3A = tpu.sem_alloc : memref<!tpu.dma_semaphore, #tpu.memory_space<semaphore_mem>>
        %dma_start3A = tpu.memref_slice %arg2[%multiple_of3A_61] : memref<320000xi32, #tpu.memory_space<hbm>> -> memref<128xi32, #tpu.memory_space<hbm>>
        %dma_start3A_63 = tpu.memref_slice %arg2[%multiple_of3A_61] : memref<320000xi32, #tpu.memory_space<hbm>> -> memref<128xi32, #tpu.memory_space<hbm>>
        tpu.enqueue_dma source(%dma_start3A_63 : memref<128xi32, #tpu.memory_space<hbm>>) target(%arg4 : memref<128xi32, #tpu.memory_space<vmem>>) target_semaphore(%run_scoped3A : memref<!tpu.dma_semaphore, #tpu.memory_space<semaphore_mem>>)
        %dma_wait3A = tpu.memref_slice %arg2[%multiple_of3A_61] : memref<320000xi32, #tpu.memory_space<hbm>> -> memref<128xi32, #tpu.memory_space<hbm>>
        %dma_wait3A_64 = tpu.memref_slice %arg2[%multiple_of3A_61] : memref<320000xi32, #tpu.memory_space<hbm>> -> memref<128xi32, #tpu.memory_space<hbm>>
        tpu.wait_dma2 semaphore(%run_scoped3A : memref<!tpu.dma_semaphore, #tpu.memory_space<semaphore_mem>>) src(%dma_wait3A_64 : memref<128xi32, #tpu.memory_space<hbm>>) dst(%arg4 : memref<128xi32, #tpu.memory_space<vmem>>)
        tpu.yield
      }) : () -> ()
      "tpu.region"() ({
        %run_scoped3A = tpu.sem_alloc : memref<!tpu.dma_semaphore, #tpu.memory_space<semaphore_mem>>
        %dma_start3A = arith.constant 0 : i32
        %dma_start3A_63 = arith.constant 0 : i32
        %dma_start3A_64 = tpu.memref_slice %arg8[%dma_start3A, %dma_start3A_63] : memref<10000x16xf32, #tpu.memory_space<vmem_shared>> -> memref<10000x16xf32, #tpu.memory_space<vmem_shared>>
        tpu.enqueue_indirect_dma source(%arg6 : memref<128x16xf32, #tpu.memory_space<vmem>>) target(%dma_start3A_64 : memref<10000x16xf32, #tpu.memory_space<vmem_shared>>) offsets(%arg4 : memref<128xi32, #tpu.memory_space<vmem>>) semaphore(%run_scoped3A : memref<!tpu.dma_semaphore, #tpu.memory_space<semaphore_mem>>) {add = true}
        %dma_wait3A = arith.constant 0 : i32
        %dma_wait3A_65 = arith.constant 0 : i32
        %dma_wait3A_66 = tpu.memref_slice %arg8[%dma_wait3A, %dma_wait3A_65] : memref<10000x16xf32, #tpu.memory_space<vmem_shared>> -> memref<10000x16xf32, #tpu.memory_space<vmem_shared>>
        tpu.wait_indirect_dma semaphore(%run_scoped3A : memref<!tpu.dma_semaphore, #tpu.memory_space<semaphore_mem>>) src(%arg6 : memref<128x16xf32, #tpu.memory_space<vmem>>) dst(%dma_wait3A_66 : memref<10000x16xf32, #tpu.memory_space<vmem_shared>>)
        tpu.yield
      }) : () -> ()
      %scan3A_62 = arith.constant 0 : i32
      scf.yield %scan3A_62 : i32
    }
    %scan3A_36 = arith.constant 78 : i32
    %add3A_37 = arith.constant 9984 : i32
    %add3A_38 = arith.addi %mul3A_29, %add3A_37 : i32
    %multiple_of3A_39 = tpu.assume_multiple %add3A_38, 8 : i32
    "tpu.region"() ({
      %run_scoped3A = tpu.sem_alloc : memref<!tpu.dma_semaphore, #tpu.memory_space<semaphore_mem>>
      %dma_start3A = tpu.memref_slice %arg2[%multiple_of3A_39] : memref<320000xi32, #tpu.memory_space<hbm>> -> memref<16xi32, #tpu.memory_space<hbm>>
      %dma_start3A_56 = tpu.memref_slice %arg2[%multiple_of3A_39] : memref<320000xi32, #tpu.memory_space<hbm>> -> memref<16xi32, #tpu.memory_space<hbm>>
      tpu.enqueue_dma source(%dma_start3A_56 : memref<16xi32, #tpu.memory_space<hbm>>) target(%arg5 : memref<16xi32, #tpu.memory_space<vmem>>) target_semaphore(%run_scoped3A : memref<!tpu.dma_semaphore, #tpu.memory_space<semaphore_mem>>)
      %dma_wait3A = tpu.memref_slice %arg2[%multiple_of3A_39] : memref<320000xi32, #tpu.memory_space<hbm>> -> memref<16xi32, #tpu.memory_space<hbm>>
      %dma_wait3A_57 = tpu.memref_slice %arg2[%multiple_of3A_39] : memref<320000xi32, #tpu.memory_space<hbm>> -> memref<16xi32, #tpu.memory_space<hbm>>
      tpu.wait_dma2 semaphore(%run_scoped3A : memref<!tpu.dma_semaphore, #tpu.memory_space<semaphore_mem>>) src(%dma_wait3A_57 : memref<16xi32, #tpu.memory_space<hbm>>) dst(%arg5 : memref<16xi32, #tpu.memory_space<vmem>>)
      tpu.yield
    }) : () -> ()
    "tpu.region"() ({
      %run_scoped3A = tpu.sem_alloc : memref<!tpu.dma_semaphore, #tpu.memory_space<semaphore_mem>>
      %dma_start3A = arith.constant 0 : i32
      %dma_start3A_56 = arith.constant 0 : i32
      %dma_start3A_57 = tpu.memref_slice %arg6[%dma_start3A, %dma_start3A_56] : memref<128x16xf32, #tpu.memory_space<vmem>> -> memref<16x16xf32, #tpu.memory_space<vmem>>
      %dma_start3A_58 = arith.constant 0 : i32
      %dma_start3A_59 = arith.constant 0 : i32
      %dma_start3A_60 = tpu.memref_slice %arg8[%dma_start3A_58, %dma_start3A_59] : memref<10000x16xf32, #tpu.memory_space<vmem_shared>> -> memref<10000x16xf32, #tpu.memory_space<vmem_shared>>
      tpu.enqueue_indirect_dma source(%dma_start3A_57 : memref<16x16xf32, #tpu.memory_space<vmem>>) target(%dma_start3A_60 : memref<10000x16xf32, #tpu.memory_space<vmem_shared>>) offsets(%arg5 : memref<16xi32, #tpu.memory_space<vmem>>) semaphore(%run_scoped3A : memref<!tpu.dma_semaphore, #tpu.memory_space<semaphore_mem>>) {add = true}
      %dma_wait3A = arith.constant 0 : i32
      %dma_wait3A_61 = arith.constant 0 : i32
      %dma_wait3A_62 = tpu.memref_slice %arg6[%dma_wait3A, %dma_wait3A_61] : memref<128x16xf32, #tpu.memory_space<vmem>> -> memref<16x16xf32, #tpu.memory_space<vmem>>
      %dma_wait3A_63 = arith.constant 0 : i32
      %dma_wait3A_64 = arith.constant 0 : i32
      %dma_wait3A_65 = tpu.memref_slice %arg8[%dma_wait3A_63, %dma_wait3A_64] : memref<10000x16xf32, #tpu.memory_space<vmem_shared>> -> memref<10000x16xf32, #tpu.memory_space<vmem_shared>>
      tpu.wait_indirect_dma semaphore(%run_scoped3A : memref<!tpu.dma_semaphore, #tpu.memory_space<semaphore_mem>>) src(%dma_wait3A_62 : memref<16x16xf32, #tpu.memory_space<vmem>>) dst(%dma_wait3A_65 : memref<10000x16xf32, #tpu.memory_space<vmem_shared>>)
      tpu.yield
    }) : () -> ()
    %barrier3A_40 = arith.constant 0 : index
    tpu.barrier barrier_id(%barrier3A_40)
    %add3A_41 = arith.constant 0 : i32
    %add3A_42 = arith.addi %multiple_of3A, %add3A_41 : i32
    %multiple_of3A_43 = tpu.assume_multiple %add3A_42, 8 : i32
    "tpu.region"() ({
      %run_scoped3A = tpu.sem_alloc : memref<!tpu.dma_semaphore, #tpu.memory_space<semaphore_mem>>
      %dma_start3A = arith.constant 0 : i32
      %dma_start3A_56 = tpu.memref_slice %arg3[%arg0, %multiple_of3A_43, %dma_start3A] : memref<2x10000x16xf32, #tpu.memory_space<hbm>> -> memref<1x128x16xf32, #tpu.memory_space<hbm>>
      %dma_start3A_57 = tpu.memref_squeeze %dma_start3A_56 : memref<1x128x16xf32, #tpu.memory_space<hbm>> -> memref<128x16xf32, #tpu.memory_space<hbm>>
      %dma_start3A_58 = arith.constant 0 : i32
      %dma_start3A_59 = tpu.memref_slice %arg8[%multiple_of3A_43, %dma_start3A_58] : memref<10000x16xf32, #tpu.memory_space<vmem_shared>> -> memref<128x16xf32, #tpu.memory_space<vmem_shared>>
      tpu.enqueue_dma source(%dma_start3A_59 : memref<128x16xf32, #tpu.memory_space<vmem_shared>>) target(%dma_start3A_57 : memref<128x16xf32, #tpu.memory_space<hbm>>) target_semaphore(%run_scoped3A : memref<!tpu.dma_semaphore, #tpu.memory_space<semaphore_mem>>)
      %dma_wait3A = arith.constant 0 : i32
      %dma_wait3A_60 = tpu.memref_slice %arg3[%arg0, %multiple_of3A_43, %dma_wait3A] : memref<2x10000x16xf32, #tpu.memory_space<hbm>> -> memref<1x128x16xf32, #tpu.memory_space<hbm>>
      %dma_wait3A_61 = tpu.memref_squeeze %dma_wait3A_60 : memref<1x128x16xf32, #tpu.memory_space<hbm>> -> memref<128x16xf32, #tpu.memory_space<hbm>>
      %dma_wait3A_62 = arith.constant 0 : i32
      %dma_wait3A_63 = tpu.memref_slice %arg8[%multiple_of3A_43, %dma_wait3A_62] : memref<10000x16xf32, #tpu.memory_space<vmem_shared>> -> memref<128x16xf32, #tpu.memory_space<vmem_shared>>
      tpu.wait_dma2 semaphore(%run_scoped3A : memref<!tpu.dma_semaphore, #tpu.memory_space<semaphore_mem>>) src(%dma_wait3A_63 : memref<128x16xf32, #tpu.memory_space<vmem_shared>>) dst(%dma_wait3A_61 : memref<128x16xf32, #tpu.memory_space<hbm>>)
      tpu.yield
    }) : () -> ()
    %add3A_44 = arith.constant 128 : i32
    %add3A_45 = arith.addi %multiple_of3A, %add3A_44 : i32
    %multiple_of3A_46 = tpu.assume_multiple %add3A_45, 8 : i32
    "tpu.region"() ({
      %run_scoped3A = tpu.sem_alloc : memref<!tpu.dma_semaphore, #tpu.memory_space<semaphore_mem>>
      %dma_start3A = arith.constant 0 : i32
      %dma_start3A_56 = tpu.memref_slice %arg3[%arg0, %multiple_of3A_46, %dma_start3A] : memref<2x10000x16xf32, #tpu.memory_space<hbm>> -> memref<1x128x16xf32, #tpu.memory_space<hbm>>
      %dma_start3A_57 = tpu.memref_squeeze %dma_start3A_56 : memref<1x128x16xf32, #tpu.memory_space<hbm>> -> memref<128x16xf32, #tpu.memory_space<hbm>>
      %dma_start3A_58 = arith.constant 0 : i32
      %dma_start3A_59 = tpu.memref_slice %arg8[%multiple_of3A_46, %dma_start3A_58] : memref<10000x16xf32, #tpu.memory_space<vmem_shared>> -> memref<128x16xf32, #tpu.memory_space<vmem_shared>>
      tpu.enqueue_dma source(%dma_start3A_59 : memref<128x16xf32, #tpu.memory_space<vmem_shared>>) target(%dma_start3A_57 : memref<128x16xf32, #tpu.memory_space<hbm>>) target_semaphore(%run_scoped3A : memref<!tpu.dma_semaphore, #tpu.memory_space<semaphore_mem>>)
      %dma_wait3A = arith.constant 0 : i32
      %dma_wait3A_60 = tpu.memref_slice %arg3[%arg0, %multiple_of3A_46, %dma_wait3A] : memref<2x10000x16xf32, #tpu.memory_space<hbm>> -> memref<1x128x16xf32, #tpu.memory_space<hbm>>
      %dma_wait3A_61 = tpu.memref_squeeze %dma_wait3A_60 : memref<1x128x16xf32, #tpu.memory_space<hbm>> -> memref<128x16xf32, #tpu.memory_space<hbm>>
      %dma_wait3A_62 = arith.constant 0 : i32
      %dma_wait3A_63 = tpu.memref_slice %arg8[%multiple_of3A_46, %dma_wait3A_62] : memref<10000x16xf32, #tpu.memory_space<vmem_shared>> -> memref<128x16xf32, #tpu.memory_space<vmem_shared>>
      tpu.wait_dma2 semaphore(%run_scoped3A : memref<!tpu.dma_semaphore, #tpu.memory_space<semaphore_mem>>) src(%dma_wait3A_63 : memref<128x16xf32, #tpu.memory_space<vmem_shared>>) dst(%dma_wait3A_61 : memref<128x16xf32, #tpu.memory_space<hbm>>)
      tpu.yield
    }) : () -> ()
    %add3A_47 = arith.constant 256 : i32
    %add3A_48 = arith.addi %multiple_of3A, %add3A_47 : i32
    %multiple_of3A_49 = tpu.assume_multiple %add3A_48, 8 : i32
    "tpu.region"() ({
      %run_scoped3A = tpu.sem_alloc : memref<!tpu.dma_semaphore, #tpu.memory_space<semaphore_mem>>
      %dma_start3A = arith.constant 0 : i32
      %dma_start3A_56 = tpu.memref_slice %arg3[%arg0, %multiple_of3A_49, %dma_start3A] : memref<2x10000x16xf32, #tpu.memory_space<hbm>> -> memref<1x128x16xf32, #tpu.memory_space<hbm>>
      %dma_start3A_57 = tpu.memref_squeeze %dma_start3A_56 : memref<1x128x16xf32, #tpu.memory_space<hbm>> -> memref<128x16xf32, #tpu.memory_space<hbm>>
      %dma_start3A_58 = arith.constant 0 : i32
      %dma_start3A_59 = tpu.memref_slice %arg8[%multiple_of3A_49, %dma_start3A_58] : memref<10000x16xf32, #tpu.memory_space<vmem_shared>> -> memref<128x16xf32, #tpu.memory_space<vmem_shared>>
      tpu.enqueue_dma source(%dma_start3A_59 : memref<128x16xf32, #tpu.memory_space<vmem_shared>>) target(%dma_start3A_57 : memref<128x16xf32, #tpu.memory_space<hbm>>) target_semaphore(%run_scoped3A : memref<!tpu.dma_semaphore, #tpu.memory_space<semaphore_mem>>)
      %dma_wait3A = arith.constant 0 : i32
      %dma_wait3A_60 = tpu.memref_slice %arg3[%arg0, %multiple_of3A_49, %dma_wait3A] : memref<2x10000x16xf32, #tpu.memory_space<hbm>> -> memref<1x128x16xf32, #tpu.memory_space<hbm>>
      %dma_wait3A_61 = tpu.memref_squeeze %dma_wait3A_60 : memref<1x128x16xf32, #tpu.memory_space<hbm>> -> memref<128x16xf32, #tpu.memory_space<hbm>>
      %dma_wait3A_62 = arith.constant 0 : i32
      %dma_wait3A_63 = tpu.memref_slice %arg8[%multiple_of3A_49, %dma_wait3A_62] : memref<10000x16xf32, #tpu.memory_space<vmem_shared>> -> memref<128x16xf32, #tpu.memory_space<vmem_shared>>
      tpu.wait_dma2 semaphore(%run_scoped3A : memref<!tpu.dma_semaphore, #tpu.memory_space<semaphore_mem>>) src(%dma_wait3A_63 : memref<128x16xf32, #tpu.memory_space<vmem_shared>>) dst(%dma_wait3A_61 : memref<128x16xf32, #tpu.memory_space<hbm>>)
      tpu.yield
    }) : () -> ()
    %add3A_50 = arith.constant 384 : i32
    %add3A_51 = arith.addi %multiple_of3A, %add3A_50 : i32
    %multiple_of3A_52 = tpu.assume_multiple %add3A_51, 8 : i32
    "tpu.region"() ({
      %run_scoped3A = tpu.sem_alloc : memref<!tpu.dma_semaphore, #tpu.memory_space<semaphore_mem>>
      %dma_start3A = arith.constant 0 : i32
      %dma_start3A_56 = tpu.memref_slice %arg3[%arg0, %multiple_of3A_52, %dma_start3A] : memref<2x10000x16xf32, #tpu.memory_space<hbm>> -> memref<1x128x16xf32, #tpu.memory_space<hbm>>
      %dma_start3A_57 = tpu.memref_squeeze %dma_start3A_56 : memref<1x128x16xf32, #tpu.memory_space<hbm>> -> memref<128x16xf32, #tpu.memory_space<hbm>>
      %dma_start3A_58 = arith.constant 0 : i32
      %dma_start3A_59 = tpu.memref_slice %arg8[%multiple_of3A_52, %dma_start3A_58] : memref<10000x16xf32, #tpu.memory_space<vmem_shared>> -> memref<128x16xf32, #tpu.memory_space<vmem_shared>>
      tpu.enqueue_dma source(%dma_start3A_59 : memref<128x16xf32, #tpu.memory_space<vmem_shared>>) target(%dma_start3A_57 : memref<128x16xf32, #tpu.memory_space<hbm>>) target_semaphore(%run_scoped3A : memref<!tpu.dma_semaphore, #tpu.memory_space<semaphore_mem>>)
      %dma_wait3A = arith.constant 0 : i32
      %dma_wait3A_60 = tpu.memref_slice %arg3[%arg0, %multiple_of3A_52, %dma_wait3A] : memref<2x10000x16xf32, #tpu.memory_space<hbm>> -> memref<1x128x16xf32, #tpu.memory_space<hbm>>
      %dma_wait3A_61 = tpu.memref_squeeze %dma_wait3A_60 : memref<1x128x16xf32, #tpu.memory_space<hbm>> -> memref<128x16xf32, #tpu.memory_space<hbm>>
      %dma_wait3A_62 = arith.constant 0 : i32
      %dma_wait3A_63 = tpu.memref_slice %arg8[%multiple_of3A_52, %dma_wait3A_62] : memref<10000x16xf32, #tpu.memory_space<vmem_shared>> -> memref<128x16xf32, #tpu.memory_space<vmem_shared>>
      tpu.wait_dma2 semaphore(%run_scoped3A : memref<!tpu.dma_semaphore, #tpu.memory_space<semaphore_mem>>) src(%dma_wait3A_63 : memref<128x16xf32, #tpu.memory_space<vmem_shared>>) dst(%dma_wait3A_61 : memref<128x16xf32, #tpu.memory_space<hbm>>)
      tpu.yield
    }) : () -> ()
    %add3A_53 = arith.constant 512 : i32
    %add3A_54 = arith.addi %multiple_of3A, %add3A_53 : i32
    %multiple_of3A_55 = tpu.assume_multiple %add3A_54, 8 : i32
    "tpu.region"() ({
      %run_scoped3A = tpu.sem_alloc : memref<!tpu.dma_semaphore, #tpu.memory_space<semaphore_mem>>
      %dma_start3A = arith.constant 0 : i32
      %dma_start3A_56 = tpu.memref_slice %arg3[%arg0, %multiple_of3A_55, %dma_start3A] : memref<2x10000x16xf32, #tpu.memory_space<hbm>> -> memref<1x120x16xf32, #tpu.memory_space<hbm>>
      %dma_start3A_57 = tpu.memref_squeeze %dma_start3A_56 : memref<1x120x16xf32, #tpu.memory_space<hbm>> -> memref<120x16xf32, #tpu.memory_space<hbm>>
      %dma_start3A_58 = arith.constant 0 : i32
      %dma_start3A_59 = tpu.memref_slice %arg8[%multiple_of3A_55, %dma_start3A_58] : memref<10000x16xf32, #tpu.memory_space<vmem_shared>> -> memref<120x16xf32, #tpu.memory_space<vmem_shared>>
      tpu.enqueue_dma source(%dma_start3A_59 : memref<120x16xf32, #tpu.memory_space<vmem_shared>>) target(%dma_start3A_57 : memref<120x16xf32, #tpu.memory_space<hbm>>) target_semaphore(%run_scoped3A : memref<!tpu.dma_semaphore, #tpu.memory_space<semaphore_mem>>)
      %dma_wait3A = arith.constant 0 : i32
      %dma_wait3A_60 = tpu.memref_slice %arg3[%arg0, %multiple_of3A_55, %dma_wait3A] : memref<2x10000x16xf32, #tpu.memory_space<hbm>> -> memref<1x120x16xf32, #tpu.memory_space<hbm>>
      %dma_wait3A_61 = tpu.memref_squeeze %dma_wait3A_60 : memref<1x120x16xf32, #tpu.memory_space<hbm>> -> memref<120x16xf32, #tpu.memory_space<hbm>>
      %dma_wait3A_62 = arith.constant 0 : i32
      %dma_wait3A_63 = tpu.memref_slice %arg8[%multiple_of3A_55, %dma_wait3A_62] : memref<10000x16xf32, #tpu.memory_space<vmem_shared>> -> memref<120x16xf32, #tpu.memory_space<vmem_shared>>
      tpu.wait_dma2 semaphore(%run_scoped3A : memref<!tpu.dma_semaphore, #tpu.memory_space<semaphore_mem>>) src(%dma_wait3A_63 : memref<120x16xf32, #tpu.memory_space<vmem_shared>>) dst(%dma_wait3A_61 : memref<120x16xf32, #tpu.memory_space<hbm>>)
      tpu.yield
    }) : () -> ()
    return
  }
}

#map = affine_map<(d0, d1) -> (0, 0)>
#map1 = affine_map<(d0, d1) -> (0)>
#map2 = affine_map<(d0, d1) -> (0, 0, 0)>
module attributes {stable_mosaic.version = 14 : i64} {
  func.func @agg_kernel(%arg0: i32, %arg1: i32, %arg2: memref<10000x128xf32, #tpu.memory_space<hbm>>, %arg3: memref<320000xi32, #tpu.memory_space<hbm>>, %arg4: memref<320000xi32, #tpu.memory_space<hbm>>, %arg5: memref<2x10000x128xf32, #tpu.memory_space<hbm>>, %arg6: memref<128xi32, #tpu.memory_space<vmem>>, %arg7: memref<128xi32, #tpu.memory_space<vmem>>, %arg8: memref<16xi32, #tpu.memory_space<vmem>>, %arg9: memref<16xi32, #tpu.memory_space<vmem>>, %arg10: memref<128x128xf32, #tpu.memory_space<vmem>>, %arg11: memref<10000x128xf32, #tpu.memory_space<vmem_shared>>, %arg12: memref<!tpu.dma_semaphore, #tpu.memory_space<semaphore_mem>>) attributes {dimension_semantics = [#tpu.dimension_semantics<core_parallel>, #tpu.dimension_semantics<subcore_parallel>], iteration_bounds = array<i64: 2, 16>, scalar_prefetch = 0 : i64, scratch_operands = 7 : i64, tpu.core_type = #tpu.core_type<sc_vector_subcore>, window_params = [{transform_indices = #map}, {transform_indices = #map1}, {transform_indices = #map1}, {transform_indices = #map2}]} {
    %mul3A = arith.constant 2 : i32
    %mul3A_0 = arith.muli %arg1, %mul3A : i32
    %add3A = arith.addi %mul3A_0, %arg0 : i32
    %broadcast_in_dim3A = arith.constant 0.000000e+00 : f32
    %broadcast_in_dim3A_1 = vector.broadcast %broadcast_in_dim3A : f32 to vector<16xf32>
    %scan3A = arith.constant 0 : i32
    %scan3A_2 = arith.constant 0 : i32
    %scan3A_3 = arith.constant 128 : i32
    %scan3A_4 = arith.addi %scan3A_2, %scan3A_3 : i32
    %scan3A_5 = arith.constant 1 : i32
    %scan3A_6 = scf.for %scan3A_64 = %scan3A_2 to %scan3A_4 step %scan3A_5 iter_args(%scan3A_65 = %scan3A) -> (i32)  : i32 {
      %scan3A_66 = arith.constant 0 : i32
      %scan3A_67 = arith.constant 0 : i32
      %scan3A_68 = arith.constant 8 : i32
      %scan3A_69 = arith.addi %scan3A_67, %scan3A_68 : i32
      %scan3A_70 = arith.constant 1 : i32
      %scan3A_71 = scf.for %scan3A_73 = %scan3A_67 to %scan3A_69 step %scan3A_70 iter_args(%scan3A_74 = %scan3A_66) -> (i32)  : i32 {
        %mul3A_75 = arith.constant 16 : i32
        %mul3A_76 = arith.muli %scan3A_73, %mul3A_75 : i32
        %swap3A = arith.index_cast %scan3A_64 : i32 to index
        %swap3A_77 = arith.index_cast %mul3A_76 : i32 to index
        %swap3A_78 = tpu.vector_load %arg10[%swap3A, %swap3A_77] {strides = array<i32>} : memref<128x128xf32, #tpu.memory_space<vmem>>, vector<1x16xf32>,
        %swap3A_79 = vector.shape_cast %swap3A_78 : vector<1x16xf32> to vector<16xf32>
        %swap3A_80 = vector.shape_cast %broadcast_in_dim3A_1 : vector<16xf32> to vector<1x16xf32>
        tpu.vector_store %arg10[%swap3A, %swap3A_77], %swap3A_80 {strides = array<i32>} : memref<128x128xf32, #tpu.memory_space<vmem>>, vector<1x16xf32>,
        %scan3A_81 = arith.constant 0 : i32
        scf.yield %scan3A_81 : i32
      }
      %scan3A_72 = arith.constant 8 : i32
      scf.yield %scan3A_71 : i32
    }
    %scan3A_7 = arith.constant 128 : i32
    %mul3A_8 = arith.constant 632 : i32
    %mul3A_9 = arith.muli %arg1, %mul3A_8 : i32
    %min3A = arith.constant 9368 : i32
    %min3A_10 = arith.minsi %mul3A_9, %min3A : i32
    %multiple_of3A = tpu.assume_multiple %min3A_10, 8 : i32
    %add3A_11 = arith.constant 0 : i32
    %add3A_12 = arith.addi %multiple_of3A, %add3A_11 : i32
    %multiple_of3A_13 = tpu.assume_multiple %add3A_12, 8 : i32
    "tpu.region"() ({
      %run_scoped3A = tpu.sem_alloc : memref<!tpu.dma_semaphore, #tpu.memory_space<semaphore_mem>>
      %dma_start3A_64 = arith.constant 0 : i32
      %dma_start3A_65 = arith.constant 0 : i32
      %dma_start3A_66 = tpu.memref_slice %arg10[%dma_start3A_64, %dma_start3A_65] : memref<128x128xf32, #tpu.memory_space<vmem>> -> memref<128x128xf32, #tpu.memory_space<vmem>>
      %dma_start3A_67 = arith.constant 0 : i32
      %dma_start3A_68 = tpu.memref_slice %arg11[%multiple_of3A_13, %dma_start3A_67] : memref<10000x128xf32, #tpu.memory_space<vmem_shared>> -> memref<128x128xf32, #tpu.memory_space<vmem_shared>>
      %dma_start3A_69 = arith.constant 0 : i32
      %dma_start3A_70 = tpu.memref_slice %arg11[%multiple_of3A_13, %dma_start3A_69] : memref<10000x128xf32, #tpu.memory_space<vmem_shared>> -> memref<128x128xf32, #tpu.memory_space<vmem_shared>>
      %dma_start3A_71 = arith.constant 0 : i32
      %dma_start3A_72 = arith.constant 0 : i32
      %dma_start3A_73 = tpu.memref_slice %arg10[%dma_start3A_71, %dma_start3A_72] : memref<128x128xf32, #tpu.memory_space<vmem>> -> memref<128x128xf32, #tpu.memory_space<vmem>>
      tpu.enqueue_dma source(%dma_start3A_73 : memref<128x128xf32, #tpu.memory_space<vmem>>) target(%dma_start3A_70 : memref<128x128xf32, #tpu.memory_space<vmem_shared>>) target_semaphore(%run_scoped3A : memref<!tpu.dma_semaphore, #tpu.memory_space<semaphore_mem>>)
      %dma_wait3A_74 = arith.constant 0 : i32
      %dma_wait3A_75 = arith.constant 0 : i32
      %dma_wait3A_76 = tpu.memref_slice %arg10[%dma_wait3A_74, %dma_wait3A_75] : memref<128x128xf32, #tpu.memory_space<vmem>> -> memref<128x128xf32, #tpu.memory_space<vmem>>
      %dma_wait3A_77 = arith.constant 0 : i32
      %dma_wait3A_78 = tpu.memref_slice %arg11[%multiple_of3A_13, %dma_wait3A_77] : memref<10000x128xf32, #tpu.memory_space<vmem_shared>> -> memref<128x128xf32, #tpu.memory_space<vmem_shared>>
      %dma_wait3A_79 = arith.constant 0 : i32
      %dma_wait3A_80 = tpu.memref_slice %arg11[%multiple_of3A_13, %dma_wait3A_79] : memref<10000x128xf32, #tpu.memory_space<vmem_shared>> -> memref<128x128xf32, #tpu.memory_space<vmem_shared>>
      %dma_wait3A_81 = arith.constant 0 : i32
      %dma_wait3A_82 = arith.constant 0 : i32
      %dma_wait3A_83 = tpu.memref_slice %arg10[%dma_wait3A_81, %dma_wait3A_82] : memref<128x128xf32, #tpu.memory_space<vmem>> -> memref<128x128xf32, #tpu.memory_space<vmem>>
      tpu.wait_dma2 semaphore(%run_scoped3A : memref<!tpu.dma_semaphore, #tpu.memory_space<semaphore_mem>>) src(%dma_wait3A_83 : memref<128x128xf32, #tpu.memory_space<vmem>>) dst(%dma_wait3A_80 : memref<128x128xf32, #tpu.memory_space<vmem_shared>>)
      tpu.yield
    }) : () -> ()
    %add3A_14 = arith.constant 128 : i32
    %add3A_15 = arith.addi %multiple_of3A, %add3A_14 : i32
    %multiple_of3A_16 = tpu.assume_multiple %add3A_15, 8 : i32
    "tpu.region"() ({
      %run_scoped3A = tpu.sem_alloc : memref<!tpu.dma_semaphore, #tpu.memory_space<semaphore_mem>>
      %dma_start3A_64 = arith.constant 0 : i32
      %dma_start3A_65 = arith.constant 0 : i32
      %dma_start3A_66 = tpu.memref_slice %arg10[%dma_start3A_64, %dma_start3A_65] : memref<128x128xf32, #tpu.memory_space<vmem>> -> memref<128x128xf32, #tpu.memory_space<vmem>>
      %dma_start3A_67 = arith.constant 0 : i32
      %dma_start3A_68 = tpu.memref_slice %arg11[%multiple_of3A_16, %dma_start3A_67] : memref<10000x128xf32, #tpu.memory_space<vmem_shared>> -> memref<128x128xf32, #tpu.memory_space<vmem_shared>>
      %dma_start3A_69 = arith.constant 0 : i32
      %dma_start3A_70 = tpu.memref_slice %arg11[%multiple_of3A_16, %dma_start3A_69] : memref<10000x128xf32, #tpu.memory_space<vmem_shared>> -> memref<128x128xf32, #tpu.memory_space<vmem_shared>>
      %dma_start3A_71 = arith.constant 0 : i32
      %dma_start3A_72 = arith.constant 0 : i32
      %dma_start3A_73 = tpu.memref_slice %arg10[%dma_start3A_71, %dma_start3A_72] : memref<128x128xf32, #tpu.memory_space<vmem>> -> memref<128x128xf32, #tpu.memory_space<vmem>>
      tpu.enqueue_dma source(%dma_start3A_73 : memref<128x128xf32, #tpu.memory_space<vmem>>) target(%dma_start3A_70 : memref<128x128xf32, #tpu.memory_space<vmem_shared>>) target_semaphore(%run_scoped3A : memref<!tpu.dma_semaphore, #tpu.memory_space<semaphore_mem>>)
      %dma_wait3A_74 = arith.constant 0 : i32
      %dma_wait3A_75 = arith.constant 0 : i32
      %dma_wait3A_76 = tpu.memref_slice %arg10[%dma_wait3A_74, %dma_wait3A_75] : memref<128x128xf32, #tpu.memory_space<vmem>> -> memref<128x128xf32, #tpu.memory_space<vmem>>
      %dma_wait3A_77 = arith.constant 0 : i32
      %dma_wait3A_78 = tpu.memref_slice %arg11[%multiple_of3A_16, %dma_wait3A_77] : memref<10000x128xf32, #tpu.memory_space<vmem_shared>> -> memref<128x128xf32, #tpu.memory_space<vmem_shared>>
      %dma_wait3A_79 = arith.constant 0 : i32
      %dma_wait3A_80 = tpu.memref_slice %arg11[%multiple_of3A_16, %dma_wait3A_79] : memref<10000x128xf32, #tpu.memory_space<vmem_shared>> -> memref<128x128xf32, #tpu.memory_space<vmem_shared>>
      %dma_wait3A_81 = arith.constant 0 : i32
      %dma_wait3A_82 = arith.constant 0 : i32
      %dma_wait3A_83 = tpu.memref_slice %arg10[%dma_wait3A_81, %dma_wait3A_82] : memref<128x128xf32, #tpu.memory_space<vmem>> -> memref<128x128xf32, #tpu.memory_space<vmem>>
      tpu.wait_dma2 semaphore(%run_scoped3A : memref<!tpu.dma_semaphore, #tpu.memory_space<semaphore_mem>>) src(%dma_wait3A_83 : memref<128x128xf32, #tpu.memory_space<vmem>>) dst(%dma_wait3A_80 : memref<128x128xf32, #tpu.memory_space<vmem_shared>>)
      tpu.yield
    }) : () -> ()
    %add3A_17 = arith.constant 256 : i32
    %add3A_18 = arith.addi %multiple_of3A, %add3A_17 : i32
    %multiple_of3A_19 = tpu.assume_multiple %add3A_18, 8 : i32
    "tpu.region"() ({
      %run_scoped3A = tpu.sem_alloc : memref<!tpu.dma_semaphore, #tpu.memory_space<semaphore_mem>>
      %dma_start3A_64 = arith.constant 0 : i32
      %dma_start3A_65 = arith.constant 0 : i32
      %dma_start3A_66 = tpu.memref_slice %arg10[%dma_start3A_64, %dma_start3A_65] : memref<128x128xf32, #tpu.memory_space<vmem>> -> memref<128x128xf32, #tpu.memory_space<vmem>>
      %dma_start3A_67 = arith.constant 0 : i32
      %dma_start3A_68 = tpu.memref_slice %arg11[%multiple_of3A_19, %dma_start3A_67] : memref<10000x128xf32, #tpu.memory_space<vmem_shared>> -> memref<128x128xf32, #tpu.memory_space<vmem_shared>>
      %dma_start3A_69 = arith.constant 0 : i32
      %dma_start3A_70 = tpu.memref_slice %arg11[%multiple_of3A_19, %dma_start3A_69] : memref<10000x128xf32, #tpu.memory_space<vmem_shared>> -> memref<128x128xf32, #tpu.memory_space<vmem_shared>>
      %dma_start3A_71 = arith.constant 0 : i32
      %dma_start3A_72 = arith.constant 0 : i32
      %dma_start3A_73 = tpu.memref_slice %arg10[%dma_start3A_71, %dma_start3A_72] : memref<128x128xf32, #tpu.memory_space<vmem>> -> memref<128x128xf32, #tpu.memory_space<vmem>>
      tpu.enqueue_dma source(%dma_start3A_73 : memref<128x128xf32, #tpu.memory_space<vmem>>) target(%dma_start3A_70 : memref<128x128xf32, #tpu.memory_space<vmem_shared>>) target_semaphore(%run_scoped3A : memref<!tpu.dma_semaphore, #tpu.memory_space<semaphore_mem>>)
      %dma_wait3A_74 = arith.constant 0 : i32
      %dma_wait3A_75 = arith.constant 0 : i32
      %dma_wait3A_76 = tpu.memref_slice %arg10[%dma_wait3A_74, %dma_wait3A_75] : memref<128x128xf32, #tpu.memory_space<vmem>> -> memref<128x128xf32, #tpu.memory_space<vmem>>
      %dma_wait3A_77 = arith.constant 0 : i32
      %dma_wait3A_78 = tpu.memref_slice %arg11[%multiple_of3A_19, %dma_wait3A_77] : memref<10000x128xf32, #tpu.memory_space<vmem_shared>> -> memref<128x128xf32, #tpu.memory_space<vmem_shared>>
      %dma_wait3A_79 = arith.constant 0 : i32
      %dma_wait3A_80 = tpu.memref_slice %arg11[%multiple_of3A_19, %dma_wait3A_79] : memref<10000x128xf32, #tpu.memory_space<vmem_shared>> -> memref<128x128xf32, #tpu.memory_space<vmem_shared>>
      %dma_wait3A_81 = arith.constant 0 : i32
      %dma_wait3A_82 = arith.constant 0 : i32
      %dma_wait3A_83 = tpu.memref_slice %arg10[%dma_wait3A_81, %dma_wait3A_82] : memref<128x128xf32, #tpu.memory_space<vmem>> -> memref<128x128xf32, #tpu.memory_space<vmem>>
      tpu.wait_dma2 semaphore(%run_scoped3A : memref<!tpu.dma_semaphore, #tpu.memory_space<semaphore_mem>>) src(%dma_wait3A_83 : memref<128x128xf32, #tpu.memory_space<vmem>>) dst(%dma_wait3A_80 : memref<128x128xf32, #tpu.memory_space<vmem_shared>>)
      tpu.yield
    }) : () -> ()
    %add3A_20 = arith.constant 384 : i32
    %add3A_21 = arith.addi %multiple_of3A, %add3A_20 : i32
    %multiple_of3A_22 = tpu.assume_multiple %add3A_21, 8 : i32
    "tpu.region"() ({
      %run_scoped3A = tpu.sem_alloc : memref<!tpu.dma_semaphore, #tpu.memory_space<semaphore_mem>>
      %dma_start3A_64 = arith.constant 0 : i32
      %dma_start3A_65 = arith.constant 0 : i32
      %dma_start3A_66 = tpu.memref_slice %arg10[%dma_start3A_64, %dma_start3A_65] : memref<128x128xf32, #tpu.memory_space<vmem>> -> memref<128x128xf32, #tpu.memory_space<vmem>>
      %dma_start3A_67 = arith.constant 0 : i32
      %dma_start3A_68 = tpu.memref_slice %arg11[%multiple_of3A_22, %dma_start3A_67] : memref<10000x128xf32, #tpu.memory_space<vmem_shared>> -> memref<128x128xf32, #tpu.memory_space<vmem_shared>>
      %dma_start3A_69 = arith.constant 0 : i32
      %dma_start3A_70 = tpu.memref_slice %arg11[%multiple_of3A_22, %dma_start3A_69] : memref<10000x128xf32, #tpu.memory_space<vmem_shared>> -> memref<128x128xf32, #tpu.memory_space<vmem_shared>>
      %dma_start3A_71 = arith.constant 0 : i32
      %dma_start3A_72 = arith.constant 0 : i32
      %dma_start3A_73 = tpu.memref_slice %arg10[%dma_start3A_71, %dma_start3A_72] : memref<128x128xf32, #tpu.memory_space<vmem>> -> memref<128x128xf32, #tpu.memory_space<vmem>>
      tpu.enqueue_dma source(%dma_start3A_73 : memref<128x128xf32, #tpu.memory_space<vmem>>) target(%dma_start3A_70 : memref<128x128xf32, #tpu.memory_space<vmem_shared>>) target_semaphore(%run_scoped3A : memref<!tpu.dma_semaphore, #tpu.memory_space<semaphore_mem>>)
      %dma_wait3A_74 = arith.constant 0 : i32
      %dma_wait3A_75 = arith.constant 0 : i32
      %dma_wait3A_76 = tpu.memref_slice %arg10[%dma_wait3A_74, %dma_wait3A_75] : memref<128x128xf32, #tpu.memory_space<vmem>> -> memref<128x128xf32, #tpu.memory_space<vmem>>
      %dma_wait3A_77 = arith.constant 0 : i32
      %dma_wait3A_78 = tpu.memref_slice %arg11[%multiple_of3A_22, %dma_wait3A_77] : memref<10000x128xf32, #tpu.memory_space<vmem_shared>> -> memref<128x128xf32, #tpu.memory_space<vmem_shared>>
      %dma_wait3A_79 = arith.constant 0 : i32
      %dma_wait3A_80 = tpu.memref_slice %arg11[%multiple_of3A_22, %dma_wait3A_79] : memref<10000x128xf32, #tpu.memory_space<vmem_shared>> -> memref<128x128xf32, #tpu.memory_space<vmem_shared>>
      %dma_wait3A_81 = arith.constant 0 : i32
      %dma_wait3A_82 = arith.constant 0 : i32
      %dma_wait3A_83 = tpu.memref_slice %arg10[%dma_wait3A_81, %dma_wait3A_82] : memref<128x128xf32, #tpu.memory_space<vmem>> -> memref<128x128xf32, #tpu.memory_space<vmem>>
      tpu.wait_dma2 semaphore(%run_scoped3A : memref<!tpu.dma_semaphore, #tpu.memory_space<semaphore_mem>>) src(%dma_wait3A_83 : memref<128x128xf32, #tpu.memory_space<vmem>>) dst(%dma_wait3A_80 : memref<128x128xf32, #tpu.memory_space<vmem_shared>>)
      tpu.yield
    }) : () -> ()
    %add3A_23 = arith.constant 512 : i32
    %add3A_24 = arith.addi %multiple_of3A, %add3A_23 : i32
    %multiple_of3A_25 = tpu.assume_multiple %add3A_24, 8 : i32
    "tpu.region"() ({
      %run_scoped3A = tpu.sem_alloc : memref<!tpu.dma_semaphore, #tpu.memory_space<semaphore_mem>>
      %dma_start3A_64 = arith.constant 0 : i32
      %dma_start3A_65 = arith.constant 0 : i32
      %dma_start3A_66 = tpu.memref_slice %arg10[%dma_start3A_64, %dma_start3A_65] : memref<128x128xf32, #tpu.memory_space<vmem>> -> memref<120x128xf32, #tpu.memory_space<vmem>>
      %dma_start3A_67 = arith.constant 0 : i32
      %dma_start3A_68 = tpu.memref_slice %arg11[%multiple_of3A_25, %dma_start3A_67] : memref<10000x128xf32, #tpu.memory_space<vmem_shared>> -> memref<120x128xf32, #tpu.memory_space<vmem_shared>>
      %dma_start3A_69 = arith.constant 0 : i32
      %dma_start3A_70 = tpu.memref_slice %arg11[%multiple_of3A_25, %dma_start3A_69] : memref<10000x128xf32, #tpu.memory_space<vmem_shared>> -> memref<120x128xf32, #tpu.memory_space<vmem_shared>>
      %dma_start3A_71 = arith.constant 0 : i32
      %dma_start3A_72 = arith.constant 0 : i32
      %dma_start3A_73 = tpu.memref_slice %arg10[%dma_start3A_71, %dma_start3A_72] : memref<128x128xf32, #tpu.memory_space<vmem>> -> memref<120x128xf32, #tpu.memory_space<vmem>>
      tpu.enqueue_dma source(%dma_start3A_73 : memref<120x128xf32, #tpu.memory_space<vmem>>) target(%dma_start3A_70 : memref<120x128xf32, #tpu.memory_space<vmem_shared>>) target_semaphore(%run_scoped3A : memref<!tpu.dma_semaphore, #tpu.memory_space<semaphore_mem>>)
      %dma_wait3A_74 = arith.constant 0 : i32
      %dma_wait3A_75 = arith.constant 0 : i32
      %dma_wait3A_76 = tpu.memref_slice %arg10[%dma_wait3A_74, %dma_wait3A_75] : memref<128x128xf32, #tpu.memory_space<vmem>> -> memref<120x128xf32, #tpu.memory_space<vmem>>
      %dma_wait3A_77 = arith.constant 0 : i32
      %dma_wait3A_78 = tpu.memref_slice %arg11[%multiple_of3A_25, %dma_wait3A_77] : memref<10000x128xf32, #tpu.memory_space<vmem_shared>> -> memref<120x128xf32, #tpu.memory_space<vmem_shared>>
      %dma_wait3A_79 = arith.constant 0 : i32
      %dma_wait3A_80 = tpu.memref_slice %arg11[%multiple_of3A_25, %dma_wait3A_79] : memref<10000x128xf32, #tpu.memory_space<vmem_shared>> -> memref<120x128xf32, #tpu.memory_space<vmem_shared>>
      %dma_wait3A_81 = arith.constant 0 : i32
      %dma_wait3A_82 = arith.constant 0 : i32
      %dma_wait3A_83 = tpu.memref_slice %arg10[%dma_wait3A_81, %dma_wait3A_82] : memref<128x128xf32, #tpu.memory_space<vmem>> -> memref<120x128xf32, #tpu.memory_space<vmem>>
      tpu.wait_dma2 semaphore(%run_scoped3A : memref<!tpu.dma_semaphore, #tpu.memory_space<semaphore_mem>>) src(%dma_wait3A_83 : memref<120x128xf32, #tpu.memory_space<vmem>>) dst(%dma_wait3A_80 : memref<120x128xf32, #tpu.memory_space<vmem_shared>>)
      tpu.yield
    }) : () -> ()
    %barrier3A = arith.constant 0 : index
    tpu.barrier barrier_id(%barrier3A)
    %mul3A_26 = arith.constant 10000 : i32
    %mul3A_27 = arith.muli %add3A, %mul3A_26 : i32
    %scan3A_28 = arith.constant 0 : i32
    %scan3A_29 = arith.constant 0 : i32
    %scan3A_30 = arith.constant 78 : i32
    %scan3A_31 = arith.addi %scan3A_29, %scan3A_30 : i32
    %scan3A_32 = arith.constant 1 : i32
    %scan3A_33 = scf.for %scan3A_64 = %scan3A_29 to %scan3A_31 step %scan3A_32 iter_args(%scan3A_65 = %scan3A_28) -> (i32)  : i32 {
      %mul3A_66 = arith.constant 128 : i32
      %mul3A_67 = arith.muli %scan3A_64, %mul3A_66 : i32
      %add3A_68 = arith.addi %mul3A_27, %mul3A_67 : i32
      %multiple_of3A_69 = tpu.assume_multiple %add3A_68, 8 : i32
      "tpu.region"() ({
        %run_scoped3A = tpu.sem_alloc : memref<!tpu.dma_semaphore, #tpu.memory_space<semaphore_mem>>
        %dma_start3A_77 = tpu.memref_slice %arg3[%multiple_of3A_69] : memref<320000xi32, #tpu.memory_space<hbm>> -> memref<128xi32, #tpu.memory_space<hbm>>
        %dma_start3A_78 = tpu.memref_slice %arg3[%multiple_of3A_69] : memref<320000xi32, #tpu.memory_space<hbm>> -> memref<128xi32, #tpu.memory_space<hbm>>
        tpu.enqueue_dma source(%dma_start3A_78 : memref<128xi32, #tpu.memory_space<hbm>>) target(%arg6 : memref<128xi32, #tpu.memory_space<vmem>>) target_semaphore(%run_scoped3A : memref<!tpu.dma_semaphore, #tpu.memory_space<semaphore_mem>>)
        %dma_wait3A_79 = tpu.memref_slice %arg3[%multiple_of3A_69] : memref<320000xi32, #tpu.memory_space<hbm>> -> memref<128xi32, #tpu.memory_space<hbm>>
        %dma_wait3A_80 = tpu.memref_slice %arg3[%multiple_of3A_69] : memref<320000xi32, #tpu.memory_space<hbm>> -> memref<128xi32, #tpu.memory_space<hbm>>
        tpu.wait_dma2 semaphore(%run_scoped3A : memref<!tpu.dma_semaphore, #tpu.memory_space<semaphore_mem>>) src(%dma_wait3A_80 : memref<128xi32, #tpu.memory_space<hbm>>) dst(%arg6 : memref<128xi32, #tpu.memory_space<vmem>>)
        tpu.yield
      }) : () -> ()
      "tpu.region"() ({
        %run_scoped3A = tpu.sem_alloc : memref<!tpu.dma_semaphore, #tpu.memory_space<semaphore_mem>>
        %dma_start3A_77 = tpu.memref_slice %arg4[%multiple_of3A_69] : memref<320000xi32, #tpu.memory_space<hbm>> -> memref<128xi32, #tpu.memory_space<hbm>>
        %dma_start3A_78 = tpu.memref_slice %arg4[%multiple_of3A_69] : memref<320000xi32, #tpu.memory_space<hbm>> -> memref<128xi32, #tpu.memory_space<hbm>>
        tpu.enqueue_dma source(%dma_start3A_78 : memref<128xi32, #tpu.memory_space<hbm>>) target(%arg7 : memref<128xi32, #tpu.memory_space<vmem>>) target_semaphore(%run_scoped3A : memref<!tpu.dma_semaphore, #tpu.memory_space<semaphore_mem>>)
        %dma_wait3A_79 = tpu.memref_slice %arg4[%multiple_of3A_69] : memref<320000xi32, #tpu.memory_space<hbm>> -> memref<128xi32, #tpu.memory_space<hbm>>
        %dma_wait3A_80 = tpu.memref_slice %arg4[%multiple_of3A_69] : memref<320000xi32, #tpu.memory_space<hbm>> -> memref<128xi32, #tpu.memory_space<hbm>>
        tpu.wait_dma2 semaphore(%run_scoped3A : memref<!tpu.dma_semaphore, #tpu.memory_space<semaphore_mem>>) src(%dma_wait3A_80 : memref<128xi32, #tpu.memory_space<hbm>>) dst(%arg7 : memref<128xi32, #tpu.memory_space<vmem>>)
        tpu.yield
      }) : () -> ()
      %dma_start3A_70 = arith.constant 0 : i32
      %dma_start3A_71 = arith.constant 0 : i32
      %dma_start3A_72 = tpu.memref_slice %arg2[%dma_start3A_70, %dma_start3A_71] : memref<10000x128xf32, #tpu.memory_space<hbm>> -> memref<10000x128xf32, #tpu.memory_space<hbm>>
      tpu.enqueue_indirect_dma source(%dma_start3A_72 : memref<10000x128xf32, #tpu.memory_space<hbm>>) target(%arg10 : memref<128x128xf32, #tpu.memory_space<vmem>>) offsets(%arg6 : memref<128xi32, #tpu.memory_space<vmem>>) semaphore(%arg12 : memref<!tpu.dma_semaphore, #tpu.memory_space<semaphore_mem>>)
      %dma_wait3A_73 = arith.constant 0 : i32
      %dma_wait3A_74 = arith.constant 0 : i32
      %dma_wait3A_75 = tpu.memref_slice %arg2[%dma_wait3A_73, %dma_wait3A_74] : memref<10000x128xf32, #tpu.memory_space<hbm>> -> memref<10000x128xf32, #tpu.memory_space<hbm>>
      tpu.wait_indirect_dma semaphore(%arg12 : memref<!tpu.dma_semaphore, #tpu.memory_space<semaphore_mem>>) src(%dma_wait3A_75 : memref<10000x128xf32, #tpu.memory_space<hbm>>) dst(%arg10 : memref<128x128xf32, #tpu.memory_space<vmem>>)
      "tpu.region"() ({
        %run_scoped3A = tpu.sem_alloc : memref<!tpu.dma_semaphore, #tpu.memory_space<semaphore_mem>>
        %dma_start3A_77 = arith.constant 0 : i32
        %dma_start3A_78 = arith.constant 0 : i32
        %dma_start3A_79 = tpu.memref_slice %arg11[%dma_start3A_77, %dma_start3A_78] : memref<10000x128xf32, #tpu.memory_space<vmem_shared>> -> memref<10000x128xf32, #tpu.memory_space<vmem_shared>>
        tpu.enqueue_indirect_dma source(%arg10 : memref<128x128xf32, #tpu.memory_space<vmem>>) target(%dma_start3A_79 : memref<10000x128xf32, #tpu.memory_space<vmem_shared>>) offsets(%arg7 : memref<128xi32, #tpu.memory_space<vmem>>) semaphore(%run_scoped3A : memref<!tpu.dma_semaphore, #tpu.memory_space<semaphore_mem>>) {add = true}
        %dma_wait3A_80 = arith.constant 0 : i32
        %dma_wait3A_81 = arith.constant 0 : i32
        %dma_wait3A_82 = tpu.memref_slice %arg11[%dma_wait3A_80, %dma_wait3A_81] : memref<10000x128xf32, #tpu.memory_space<vmem_shared>> -> memref<10000x128xf32, #tpu.memory_space<vmem_shared>>
        tpu.wait_indirect_dma semaphore(%run_scoped3A : memref<!tpu.dma_semaphore, #tpu.memory_space<semaphore_mem>>) src(%arg10 : memref<128x128xf32, #tpu.memory_space<vmem>>) dst(%dma_wait3A_82 : memref<10000x128xf32, #tpu.memory_space<vmem_shared>>)
        tpu.yield
      }) : () -> ()
      %scan3A_76 = arith.constant 0 : i32
      scf.yield %scan3A_76 : i32
    }
    %scan3A_34 = arith.constant 78 : i32
    %add3A_35 = arith.constant 9984 : i32
    %add3A_36 = arith.addi %mul3A_27, %add3A_35 : i32
    %multiple_of3A_37 = tpu.assume_multiple %add3A_36, 8 : i32
    "tpu.region"() ({
      %run_scoped3A = tpu.sem_alloc : memref<!tpu.dma_semaphore, #tpu.memory_space<semaphore_mem>>
      %dma_start3A_64 = tpu.memref_slice %arg3[%multiple_of3A_37] : memref<320000xi32, #tpu.memory_space<hbm>> -> memref<16xi32, #tpu.memory_space<hbm>>
      %dma_start3A_65 = tpu.memref_slice %arg3[%multiple_of3A_37] : memref<320000xi32, #tpu.memory_space<hbm>> -> memref<16xi32, #tpu.memory_space<hbm>>
      tpu.enqueue_dma source(%dma_start3A_65 : memref<16xi32, #tpu.memory_space<hbm>>) target(%arg8 : memref<16xi32, #tpu.memory_space<vmem>>) target_semaphore(%run_scoped3A : memref<!tpu.dma_semaphore, #tpu.memory_space<semaphore_mem>>)
      %dma_wait3A_66 = tpu.memref_slice %arg3[%multiple_of3A_37] : memref<320000xi32, #tpu.memory_space<hbm>> -> memref<16xi32, #tpu.memory_space<hbm>>
      %dma_wait3A_67 = tpu.memref_slice %arg3[%multiple_of3A_37] : memref<320000xi32, #tpu.memory_space<hbm>> -> memref<16xi32, #tpu.memory_space<hbm>>
      tpu.wait_dma2 semaphore(%run_scoped3A : memref<!tpu.dma_semaphore, #tpu.memory_space<semaphore_mem>>) src(%dma_wait3A_67 : memref<16xi32, #tpu.memory_space<hbm>>) dst(%arg8 : memref<16xi32, #tpu.memory_space<vmem>>)
      tpu.yield
    }) : () -> ()
    "tpu.region"() ({
      %run_scoped3A = tpu.sem_alloc : memref<!tpu.dma_semaphore, #tpu.memory_space<semaphore_mem>>
      %dma_start3A_64 = tpu.memref_slice %arg4[%multiple_of3A_37] : memref<320000xi32, #tpu.memory_space<hbm>> -> memref<16xi32, #tpu.memory_space<hbm>>
      %dma_start3A_65 = tpu.memref_slice %arg4[%multiple_of3A_37] : memref<320000xi32, #tpu.memory_space<hbm>> -> memref<16xi32, #tpu.memory_space<hbm>>
      tpu.enqueue_dma source(%dma_start3A_65 : memref<16xi32, #tpu.memory_space<hbm>>) target(%arg9 : memref<16xi32, #tpu.memory_space<vmem>>) target_semaphore(%run_scoped3A : memref<!tpu.dma_semaphore, #tpu.memory_space<semaphore_mem>>)
      %dma_wait3A_66 = tpu.memref_slice %arg4[%multiple_of3A_37] : memref<320000xi32, #tpu.memory_space<hbm>> -> memref<16xi32, #tpu.memory_space<hbm>>
      %dma_wait3A_67 = tpu.memref_slice %arg4[%multiple_of3A_37] : memref<320000xi32, #tpu.memory_space<hbm>> -> memref<16xi32, #tpu.memory_space<hbm>>
      tpu.wait_dma2 semaphore(%run_scoped3A : memref<!tpu.dma_semaphore, #tpu.memory_space<semaphore_mem>>) src(%dma_wait3A_67 : memref<16xi32, #tpu.memory_space<hbm>>) dst(%arg9 : memref<16xi32, #tpu.memory_space<vmem>>)
      tpu.yield
    }) : () -> ()
    %dma_start3A = arith.constant 0 : i32
    %dma_start3A_38 = arith.constant 0 : i32
    %dma_start3A_39 = tpu.memref_slice %arg10[%dma_start3A, %dma_start3A_38] : memref<128x128xf32, #tpu.memory_space<vmem>> -> memref<16x128xf32, #tpu.memory_space<vmem>>
    %dma_start3A_40 = arith.constant 0 : i32
    %dma_start3A_41 = arith.constant 0 : i32
    %dma_start3A_42 = tpu.memref_slice %arg2[%dma_start3A_40, %dma_start3A_41] : memref<10000x128xf32, #tpu.memory_space<hbm>> -> memref<10000x128xf32, #tpu.memory_space<hbm>>
    tpu.enqueue_indirect_dma source(%dma_start3A_42 : memref<10000x128xf32, #tpu.memory_space<hbm>>) target(%dma_start3A_39 : memref<16x128xf32, #tpu.memory_space<vmem>>) offsets(%arg8 : memref<16xi32, #tpu.memory_space<vmem>>) semaphore(%arg12 : memref<!tpu.dma_semaphore, #tpu.memory_space<semaphore_mem>>)
    %dma_wait3A = arith.constant 0 : i32
    %dma_wait3A_43 = arith.constant 0 : i32
    %dma_wait3A_44 = tpu.memref_slice %arg10[%dma_wait3A, %dma_wait3A_43] : memref<128x128xf32, #tpu.memory_space<vmem>> -> memref<16x128xf32, #tpu.memory_space<vmem>>
    %dma_wait3A_45 = arith.constant 0 : i32
    %dma_wait3A_46 = arith.constant 0 : i32
    %dma_wait3A_47 = tpu.memref_slice %arg2[%dma_wait3A_45, %dma_wait3A_46] : memref<10000x128xf32, #tpu.memory_space<hbm>> -> memref<10000x128xf32, #tpu.memory_space<hbm>>
    tpu.wait_indirect_dma semaphore(%arg12 : memref<!tpu.dma_semaphore, #tpu.memory_space<semaphore_mem>>) src(%dma_wait3A_47 : memref<10000x128xf32, #tpu.memory_space<hbm>>) dst(%dma_wait3A_44 : memref<16x128xf32, #tpu.memory_space<vmem>>)
    "tpu.region"() ({
      %run_scoped3A = tpu.sem_alloc : memref<!tpu.dma_semaphore, #tpu.memory_space<semaphore_mem>>
      %dma_start3A_64 = arith.constant 0 : i32
      %dma_start3A_65 = arith.constant 0 : i32
      %dma_start3A_66 = tpu.memref_slice %arg10[%dma_start3A_64, %dma_start3A_65] : memref<128x128xf32, #tpu.memory_space<vmem>> -> memref<16x128xf32, #tpu.memory_space<vmem>>
      %dma_start3A_67 = arith.constant 0 : i32
      %dma_start3A_68 = arith.constant 0 : i32
      %dma_start3A_69 = tpu.memref_slice %arg11[%dma_start3A_67, %dma_start3A_68] : memref<10000x128xf32, #tpu.memory_space<vmem_shared>> -> memref<10000x128xf32, #tpu.memory_space<vmem_shared>>
      tpu.enqueue_indirect_dma source(%dma_start3A_66 : memref<16x128xf32, #tpu.memory_space<vmem>>) target(%dma_start3A_69 : memref<10000x128xf32, #tpu.memory_space<vmem_shared>>) offsets(%arg9 : memref<16xi32, #tpu.memory_space<vmem>>) semaphore(%run_scoped3A : memref<!tpu.dma_semaphore, #tpu.memory_space<semaphore_mem>>) {add = true}
      %dma_wait3A_70 = arith.constant 0 : i32
      %dma_wait3A_71 = arith.constant 0 : i32
      %dma_wait3A_72 = tpu.memref_slice %arg10[%dma_wait3A_70, %dma_wait3A_71] : memref<128x128xf32, #tpu.memory_space<vmem>> -> memref<16x128xf32, #tpu.memory_space<vmem>>
      %dma_wait3A_73 = arith.constant 0 : i32
      %dma_wait3A_74 = arith.constant 0 : i32
      %dma_wait3A_75 = tpu.memref_slice %arg11[%dma_wait3A_73, %dma_wait3A_74] : memref<10000x128xf32, #tpu.memory_space<vmem_shared>> -> memref<10000x128xf32, #tpu.memory_space<vmem_shared>>
      tpu.wait_indirect_dma semaphore(%run_scoped3A : memref<!tpu.dma_semaphore, #tpu.memory_space<semaphore_mem>>) src(%dma_wait3A_72 : memref<16x128xf32, #tpu.memory_space<vmem>>) dst(%dma_wait3A_75 : memref<10000x128xf32, #tpu.memory_space<vmem_shared>>)
      tpu.yield
    }) : () -> ()
    %barrier3A_48 = arith.constant 0 : index
    tpu.barrier barrier_id(%barrier3A_48)
    %add3A_49 = arith.constant 0 : i32
    %add3A_50 = arith.addi %multiple_of3A, %add3A_49 : i32
    %multiple_of3A_51 = tpu.assume_multiple %add3A_50, 8 : i32
    "tpu.region"() ({
      %run_scoped3A = tpu.sem_alloc : memref<!tpu.dma_semaphore, #tpu.memory_space<semaphore_mem>>
      %dma_start3A_64 = arith.constant 0 : i32
      %dma_start3A_65 = tpu.memref_slice %arg5[%arg0, %multiple_of3A_51, %dma_start3A_64] : memref<2x10000x128xf32, #tpu.memory_space<hbm>> -> memref<1x128x128xf32, #tpu.memory_space<hbm>>
      %dma_start3A_66 = tpu.memref_squeeze %dma_start3A_65 : memref<1x128x128xf32, #tpu.memory_space<hbm>> -> memref<128x128xf32, #tpu.memory_space<hbm>>
      %dma_start3A_67 = arith.constant 0 : i32
      %dma_start3A_68 = tpu.memref_slice %arg11[%multiple_of3A_51, %dma_start3A_67] : memref<10000x128xf32, #tpu.memory_space<vmem_shared>> -> memref<128x128xf32, #tpu.memory_space<vmem_shared>>
      tpu.enqueue_dma source(%dma_start3A_68 : memref<128x128xf32, #tpu.memory_space<vmem_shared>>) target(%dma_start3A_66 : memref<128x128xf32, #tpu.memory_space<hbm>>) target_semaphore(%run_scoped3A : memref<!tpu.dma_semaphore, #tpu.memory_space<semaphore_mem>>)
      %dma_wait3A_69 = arith.constant 0 : i32
      %dma_wait3A_70 = tpu.memref_slice %arg5[%arg0, %multiple_of3A_51, %dma_wait3A_69] : memref<2x10000x128xf32, #tpu.memory_space<hbm>> -> memref<1x128x128xf32, #tpu.memory_space<hbm>>
      %dma_wait3A_71 = tpu.memref_squeeze %dma_wait3A_70 : memref<1x128x128xf32, #tpu.memory_space<hbm>> -> memref<128x128xf32, #tpu.memory_space<hbm>>
      %dma_wait3A_72 = arith.constant 0 : i32
      %dma_wait3A_73 = tpu.memref_slice %arg11[%multiple_of3A_51, %dma_wait3A_72] : memref<10000x128xf32, #tpu.memory_space<vmem_shared>> -> memref<128x128xf32, #tpu.memory_space<vmem_shared>>
      tpu.wait_dma2 semaphore(%run_scoped3A : memref<!tpu.dma_semaphore, #tpu.memory_space<semaphore_mem>>) src(%dma_wait3A_73 : memref<128x128xf32, #tpu.memory_space<vmem_shared>>) dst(%dma_wait3A_71 : memref<128x128xf32, #tpu.memory_space<hbm>>)
      tpu.yield
    }) : () -> ()
    %add3A_52 = arith.constant 128 : i32
    %add3A_53 = arith.addi %multiple_of3A, %add3A_52 : i32
    %multiple_of3A_54 = tpu.assume_multiple %add3A_53, 8 : i32
    "tpu.region"() ({
      %run_scoped3A = tpu.sem_alloc : memref<!tpu.dma_semaphore, #tpu.memory_space<semaphore_mem>>
      %dma_start3A_64 = arith.constant 0 : i32
      %dma_start3A_65 = tpu.memref_slice %arg5[%arg0, %multiple_of3A_54, %dma_start3A_64] : memref<2x10000x128xf32, #tpu.memory_space<hbm>> -> memref<1x128x128xf32, #tpu.memory_space<hbm>>
      %dma_start3A_66 = tpu.memref_squeeze %dma_start3A_65 : memref<1x128x128xf32, #tpu.memory_space<hbm>> -> memref<128x128xf32, #tpu.memory_space<hbm>>
      %dma_start3A_67 = arith.constant 0 : i32
      %dma_start3A_68 = tpu.memref_slice %arg11[%multiple_of3A_54, %dma_start3A_67] : memref<10000x128xf32, #tpu.memory_space<vmem_shared>> -> memref<128x128xf32, #tpu.memory_space<vmem_shared>>
      tpu.enqueue_dma source(%dma_start3A_68 : memref<128x128xf32, #tpu.memory_space<vmem_shared>>) target(%dma_start3A_66 : memref<128x128xf32, #tpu.memory_space<hbm>>) target_semaphore(%run_scoped3A : memref<!tpu.dma_semaphore, #tpu.memory_space<semaphore_mem>>)
      %dma_wait3A_69 = arith.constant 0 : i32
      %dma_wait3A_70 = tpu.memref_slice %arg5[%arg0, %multiple_of3A_54, %dma_wait3A_69] : memref<2x10000x128xf32, #tpu.memory_space<hbm>> -> memref<1x128x128xf32, #tpu.memory_space<hbm>>
      %dma_wait3A_71 = tpu.memref_squeeze %dma_wait3A_70 : memref<1x128x128xf32, #tpu.memory_space<hbm>> -> memref<128x128xf32, #tpu.memory_space<hbm>>
      %dma_wait3A_72 = arith.constant 0 : i32
      %dma_wait3A_73 = tpu.memref_slice %arg11[%multiple_of3A_54, %dma_wait3A_72] : memref<10000x128xf32, #tpu.memory_space<vmem_shared>> -> memref<128x128xf32, #tpu.memory_space<vmem_shared>>
      tpu.wait_dma2 semaphore(%run_scoped3A : memref<!tpu.dma_semaphore, #tpu.memory_space<semaphore_mem>>) src(%dma_wait3A_73 : memref<128x128xf32, #tpu.memory_space<vmem_shared>>) dst(%dma_wait3A_71 : memref<128x128xf32, #tpu.memory_space<hbm>>)
      tpu.yield
    }) : () -> ()
    %add3A_55 = arith.constant 256 : i32
    %add3A_56 = arith.addi %multiple_of3A, %add3A_55 : i32
    %multiple_of3A_57 = tpu.assume_multiple %add3A_56, 8 : i32
    "tpu.region"() ({
      %run_scoped3A = tpu.sem_alloc : memref<!tpu.dma_semaphore, #tpu.memory_space<semaphore_mem>>
      %dma_start3A_64 = arith.constant 0 : i32
      %dma_start3A_65 = tpu.memref_slice %arg5[%arg0, %multiple_of3A_57, %dma_start3A_64] : memref<2x10000x128xf32, #tpu.memory_space<hbm>> -> memref<1x128x128xf32, #tpu.memory_space<hbm>>
      %dma_start3A_66 = tpu.memref_squeeze %dma_start3A_65 : memref<1x128x128xf32, #tpu.memory_space<hbm>> -> memref<128x128xf32, #tpu.memory_space<hbm>>
      %dma_start3A_67 = arith.constant 0 : i32
      %dma_start3A_68 = tpu.memref_slice %arg11[%multiple_of3A_57, %dma_start3A_67] : memref<10000x128xf32, #tpu.memory_space<vmem_shared>> -> memref<128x128xf32, #tpu.memory_space<vmem_shared>>
      tpu.enqueue_dma source(%dma_start3A_68 : memref<128x128xf32, #tpu.memory_space<vmem_shared>>) target(%dma_start3A_66 : memref<128x128xf32, #tpu.memory_space<hbm>>) target_semaphore(%run_scoped3A : memref<!tpu.dma_semaphore, #tpu.memory_space<semaphore_mem>>)
      %dma_wait3A_69 = arith.constant 0 : i32
      %dma_wait3A_70 = tpu.memref_slice %arg5[%arg0, %multiple_of3A_57, %dma_wait3A_69] : memref<2x10000x128xf32, #tpu.memory_space<hbm>> -> memref<1x128x128xf32, #tpu.memory_space<hbm>>
      %dma_wait3A_71 = tpu.memref_squeeze %dma_wait3A_70 : memref<1x128x128xf32, #tpu.memory_space<hbm>> -> memref<128x128xf32, #tpu.memory_space<hbm>>
      %dma_wait3A_72 = arith.constant 0 : i32
      %dma_wait3A_73 = tpu.memref_slice %arg11[%multiple_of3A_57, %dma_wait3A_72] : memref<10000x128xf32, #tpu.memory_space<vmem_shared>> -> memref<128x128xf32, #tpu.memory_space<vmem_shared>>
      tpu.wait_dma2 semaphore(%run_scoped3A : memref<!tpu.dma_semaphore, #tpu.memory_space<semaphore_mem>>) src(%dma_wait3A_73 : memref<128x128xf32, #tpu.memory_space<vmem_shared>>) dst(%dma_wait3A_71 : memref<128x128xf32, #tpu.memory_space<hbm>>)
      tpu.yield
    }) : () -> ()
    %add3A_58 = arith.constant 384 : i32
    %add3A_59 = arith.addi %multiple_of3A, %add3A_58 : i32
    %multiple_of3A_60 = tpu.assume_multiple %add3A_59, 8 : i32
    "tpu.region"() ({
      %run_scoped3A = tpu.sem_alloc : memref<!tpu.dma_semaphore, #tpu.memory_space<semaphore_mem>>
      %dma_start3A_64 = arith.constant 0 : i32
      %dma_start3A_65 = tpu.memref_slice %arg5[%arg0, %multiple_of3A_60, %dma_start3A_64] : memref<2x10000x128xf32, #tpu.memory_space<hbm>> -> memref<1x128x128xf32, #tpu.memory_space<hbm>>
      %dma_start3A_66 = tpu.memref_squeeze %dma_start3A_65 : memref<1x128x128xf32, #tpu.memory_space<hbm>> -> memref<128x128xf32, #tpu.memory_space<hbm>>
      %dma_start3A_67 = arith.constant 0 : i32
      %dma_start3A_68 = tpu.memref_slice %arg11[%multiple_of3A_60, %dma_start3A_67] : memref<10000x128xf32, #tpu.memory_space<vmem_shared>> -> memref<128x128xf32, #tpu.memory_space<vmem_shared>>
      tpu.enqueue_dma source(%dma_start3A_68 : memref<128x128xf32, #tpu.memory_space<vmem_shared>>) target(%dma_start3A_66 : memref<128x128xf32, #tpu.memory_space<hbm>>) target_semaphore(%run_scoped3A : memref<!tpu.dma_semaphore, #tpu.memory_space<semaphore_mem>>)
      %dma_wait3A_69 = arith.constant 0 : i32
      %dma_wait3A_70 = tpu.memref_slice %arg5[%arg0, %multiple_of3A_60, %dma_wait3A_69] : memref<2x10000x128xf32, #tpu.memory_space<hbm>> -> memref<1x128x128xf32, #tpu.memory_space<hbm>>
      %dma_wait3A_71 = tpu.memref_squeeze %dma_wait3A_70 : memref<1x128x128xf32, #tpu.memory_space<hbm>> -> memref<128x128xf32, #tpu.memory_space<hbm>>
      %dma_wait3A_72 = arith.constant 0 : i32
      %dma_wait3A_73 = tpu.memref_slice %arg11[%multiple_of3A_60, %dma_wait3A_72] : memref<10000x128xf32, #tpu.memory_space<vmem_shared>> -> memref<128x128xf32, #tpu.memory_space<vmem_shared>>
      tpu.wait_dma2 semaphore(%run_scoped3A : memref<!tpu.dma_semaphore, #tpu.memory_space<semaphore_mem>>) src(%dma_wait3A_73 : memref<128x128xf32, #tpu.memory_space<vmem_shared>>) dst(%dma_wait3A_71 : memref<128x128xf32, #tpu.memory_space<hbm>>)
      tpu.yield
    }) : () -> ()
    %add3A_61 = arith.constant 512 : i32
    %add3A_62 = arith.addi %multiple_of3A, %add3A_61 : i32
    %multiple_of3A_63 = tpu.assume_multiple %add3A_62, 8 : i32
    "tpu.region"() ({
      %run_scoped3A = tpu.sem_alloc : memref<!tpu.dma_semaphore, #tpu.memory_space<semaphore_mem>>
      %dma_start3A_64 = arith.constant 0 : i32
      %dma_start3A_65 = tpu.memref_slice %arg5[%arg0, %multiple_of3A_63, %dma_start3A_64] : memref<2x10000x128xf32, #tpu.memory_space<hbm>> -> memref<1x120x128xf32, #tpu.memory_space<hbm>>
      %dma_start3A_66 = tpu.memref_squeeze %dma_start3A_65 : memref<1x120x128xf32, #tpu.memory_space<hbm>> -> memref<120x128xf32, #tpu.memory_space<hbm>>
      %dma_start3A_67 = arith.constant 0 : i32
      %dma_start3A_68 = tpu.memref_slice %arg11[%multiple_of3A_63, %dma_start3A_67] : memref<10000x128xf32, #tpu.memory_space<vmem_shared>> -> memref<120x128xf32, #tpu.memory_space<vmem_shared>>
      tpu.enqueue_dma source(%dma_start3A_68 : memref<120x128xf32, #tpu.memory_space<vmem_shared>>) target(%dma_start3A_66 : memref<120x128xf32, #tpu.memory_space<hbm>>) target_semaphore(%run_scoped3A : memref<!tpu.dma_semaphore, #tpu.memory_space<semaphore_mem>>)
      %dma_wait3A_69 = arith.constant 0 : i32
      %dma_wait3A_70 = tpu.memref_slice %arg5[%arg0, %multiple_of3A_63, %dma_wait3A_69] : memref<2x10000x128xf32, #tpu.memory_space<hbm>> -> memref<1x120x128xf32, #tpu.memory_space<hbm>>
      %dma_wait3A_71 = tpu.memref_squeeze %dma_wait3A_70 : memref<1x120x128xf32, #tpu.memory_space<hbm>> -> memref<120x128xf32, #tpu.memory_space<hbm>>
      %dma_wait3A_72 = arith.constant 0 : i32
      %dma_wait3A_73 = tpu.memref_slice %arg11[%multiple_of3A_63, %dma_wait3A_72] : memref<10000x128xf32, #tpu.memory_space<vmem_shared>> -> memref<120x128xf32, #tpu.memory_space<vmem_shared>>
      tpu.wait_dma2 semaphore(%run_scoped3A : memref<!tpu.dma_semaphore, #tpu.memory_space<semaphore_mem>>) src(%dma_wait3A_73 : memref<120x128xf32, #tpu.memory_space<vmem_shared>>) dst(%dma_wait3A_71 : memref<120x128xf32, #tpu.memory_space<hbm>>)
      tpu.yield
    }) : () -> ()
    return
  }
}

#map = affine_map<(d0, d1) -> (0, 0)>
#map1 = affine_map<(d0, d1) -> (0)>
#map2 = affine_map<(d0, d1) -> (0, 0, 0)>
module attributes {stable_mosaic.version = 14 : i64} {
  func.func @agg_kernel(%arg0: i32, %arg1: i32, %arg2: memref<10000x64xf32, #tpu.memory_space<hbm>>, %arg3: memref<320000xi32, #tpu.memory_space<hbm>>, %arg4: memref<320000xi32, #tpu.memory_space<hbm>>, %arg5: memref<2x10000x64xf32, #tpu.memory_space<hbm>>, %arg6: memref<128xi32, #tpu.memory_space<vmem>>, %arg7: memref<128xi32, #tpu.memory_space<vmem>>, %arg8: memref<16xi32, #tpu.memory_space<vmem>>, %arg9: memref<16xi32, #tpu.memory_space<vmem>>, %arg10: memref<128x64xf32, #tpu.memory_space<vmem>>, %arg11: memref<10000x64xf32, #tpu.memory_space<vmem_shared>>, %arg12: memref<!tpu.dma_semaphore, #tpu.memory_space<semaphore_mem>>) attributes {dimension_semantics = [#tpu.dimension_semantics<core_parallel>, #tpu.dimension_semantics<subcore_parallel>], iteration_bounds = array<i64: 2, 16>, scalar_prefetch = 0 : i64, scratch_operands = 7 : i64, tpu.core_type = #tpu.core_type<sc_vector_subcore>, window_params = [{transform_indices = #map}, {transform_indices = #map1}, {transform_indices = #map1}, {transform_indices = #map2}]} {
    %mul3A = arith.constant 2 : i32
    %mul3A_0 = arith.muli %arg1, %mul3A : i32
    %add3A = arith.addi %mul3A_0, %arg0 : i32
    %broadcast_in_dim3A = arith.constant 0.000000e+00 : f32
    %broadcast_in_dim3A_1 = vector.broadcast %broadcast_in_dim3A : f32 to vector<16xf32>
    %scan3A = arith.constant 0 : i32
    %scan3A_2 = arith.constant 0 : i32
    %scan3A_3 = arith.constant 128 : i32
    %scan3A_4 = arith.addi %scan3A_2, %scan3A_3 : i32
    %scan3A_5 = arith.constant 1 : i32
    %scan3A_6 = scf.for %scan3A_64 = %scan3A_2 to %scan3A_4 step %scan3A_5 iter_args(%scan3A_65 = %scan3A) -> (i32)  : i32 {
      %scan3A_66 = arith.constant 0 : i32
      %scan3A_67 = arith.constant 0 : i32
      %scan3A_68 = arith.constant 4 : i32
      %scan3A_69 = arith.addi %scan3A_67, %scan3A_68 : i32
      %scan3A_70 = arith.constant 1 : i32
      %scan3A_71 = scf.for %scan3A_73 = %scan3A_67 to %scan3A_69 step %scan3A_70 iter_args(%scan3A_74 = %scan3A_66) -> (i32)  : i32 {
        %mul3A_75 = arith.constant 16 : i32
        %mul3A_76 = arith.muli %scan3A_73, %mul3A_75 : i32
        %swap3A = arith.index_cast %scan3A_64 : i32 to index
        %swap3A_77 = arith.index_cast %mul3A_76 : i32 to index
        %swap3A_78 = tpu.vector_load %arg10[%swap3A, %swap3A_77] {strides = array<i32>} : memref<128x64xf32, #tpu.memory_space<vmem>>, vector<1x16xf32>,
        %swap3A_79 = vector.shape_cast %swap3A_78 : vector<1x16xf32> to vector<16xf32>
        %swap3A_80 = vector.shape_cast %broadcast_in_dim3A_1 : vector<16xf32> to vector<1x16xf32>
        tpu.vector_store %arg10[%swap3A, %swap3A_77], %swap3A_80 {strides = array<i32>} : memref<128x64xf32, #tpu.memory_space<vmem>>, vector<1x16xf32>,
        %scan3A_81 = arith.constant 0 : i32
        scf.yield %scan3A_81 : i32
      }
      %scan3A_72 = arith.constant 4 : i32
      scf.yield %scan3A_71 : i32
    }
    %scan3A_7 = arith.constant 128 : i32
    %mul3A_8 = arith.constant 632 : i32
    %mul3A_9 = arith.muli %arg1, %mul3A_8 : i32
    %min3A = arith.constant 9368 : i32
    %min3A_10 = arith.minsi %mul3A_9, %min3A : i32
    %multiple_of3A = tpu.assume_multiple %min3A_10, 8 : i32
    %add3A_11 = arith.constant 0 : i32
    %add3A_12 = arith.addi %multiple_of3A, %add3A_11 : i32
    %multiple_of3A_13 = tpu.assume_multiple %add3A_12, 8 : i32
    "tpu.region"() ({
      %run_scoped3A = tpu.sem_alloc : memref<!tpu.dma_semaphore, #tpu.memory_space<semaphore_mem>>
      %dma_start3A_64 = arith.constant 0 : i32
      %dma_start3A_65 = arith.constant 0 : i32
      %dma_start3A_66 = tpu.memref_slice %arg10[%dma_start3A_64, %dma_start3A_65] : memref<128x64xf32, #tpu.memory_space<vmem>> -> memref<128x64xf32, #tpu.memory_space<vmem>>
      %dma_start3A_67 = arith.constant 0 : i32
      %dma_start3A_68 = tpu.memref_slice %arg11[%multiple_of3A_13, %dma_start3A_67] : memref<10000x64xf32, #tpu.memory_space<vmem_shared>> -> memref<128x64xf32, #tpu.memory_space<vmem_shared>>
      %dma_start3A_69 = arith.constant 0 : i32
      %dma_start3A_70 = tpu.memref_slice %arg11[%multiple_of3A_13, %dma_start3A_69] : memref<10000x64xf32, #tpu.memory_space<vmem_shared>> -> memref<128x64xf32, #tpu.memory_space<vmem_shared>>
      %dma_start3A_71 = arith.constant 0 : i32
      %dma_start3A_72 = arith.constant 0 : i32
      %dma_start3A_73 = tpu.memref_slice %arg10[%dma_start3A_71, %dma_start3A_72] : memref<128x64xf32, #tpu.memory_space<vmem>> -> memref<128x64xf32, #tpu.memory_space<vmem>>
      tpu.enqueue_dma source(%dma_start3A_73 : memref<128x64xf32, #tpu.memory_space<vmem>>) target(%dma_start3A_70 : memref<128x64xf32, #tpu.memory_space<vmem_shared>>) target_semaphore(%run_scoped3A : memref<!tpu.dma_semaphore, #tpu.memory_space<semaphore_mem>>)
      %dma_wait3A_74 = arith.constant 0 : i32
      %dma_wait3A_75 = arith.constant 0 : i32
      %dma_wait3A_76 = tpu.memref_slice %arg10[%dma_wait3A_74, %dma_wait3A_75] : memref<128x64xf32, #tpu.memory_space<vmem>> -> memref<128x64xf32, #tpu.memory_space<vmem>>
      %dma_wait3A_77 = arith.constant 0 : i32
      %dma_wait3A_78 = tpu.memref_slice %arg11[%multiple_of3A_13, %dma_wait3A_77] : memref<10000x64xf32, #tpu.memory_space<vmem_shared>> -> memref<128x64xf32, #tpu.memory_space<vmem_shared>>
      %dma_wait3A_79 = arith.constant 0 : i32
      %dma_wait3A_80 = tpu.memref_slice %arg11[%multiple_of3A_13, %dma_wait3A_79] : memref<10000x64xf32, #tpu.memory_space<vmem_shared>> -> memref<128x64xf32, #tpu.memory_space<vmem_shared>>
      %dma_wait3A_81 = arith.constant 0 : i32
      %dma_wait3A_82 = arith.constant 0 : i32
      %dma_wait3A_83 = tpu.memref_slice %arg10[%dma_wait3A_81, %dma_wait3A_82] : memref<128x64xf32, #tpu.memory_space<vmem>> -> memref<128x64xf32, #tpu.memory_space<vmem>>
      tpu.wait_dma2 semaphore(%run_scoped3A : memref<!tpu.dma_semaphore, #tpu.memory_space<semaphore_mem>>) src(%dma_wait3A_83 : memref<128x64xf32, #tpu.memory_space<vmem>>) dst(%dma_wait3A_80 : memref<128x64xf32, #tpu.memory_space<vmem_shared>>)
      tpu.yield
    }) : () -> ()
    %add3A_14 = arith.constant 128 : i32
    %add3A_15 = arith.addi %multiple_of3A, %add3A_14 : i32
    %multiple_of3A_16 = tpu.assume_multiple %add3A_15, 8 : i32
    "tpu.region"() ({
      %run_scoped3A = tpu.sem_alloc : memref<!tpu.dma_semaphore, #tpu.memory_space<semaphore_mem>>
      %dma_start3A_64 = arith.constant 0 : i32
      %dma_start3A_65 = arith.constant 0 : i32
      %dma_start3A_66 = tpu.memref_slice %arg10[%dma_start3A_64, %dma_start3A_65] : memref<128x64xf32, #tpu.memory_space<vmem>> -> memref<128x64xf32, #tpu.memory_space<vmem>>
      %dma_start3A_67 = arith.constant 0 : i32
      %dma_start3A_68 = tpu.memref_slice %arg11[%multiple_of3A_16, %dma_start3A_67] : memref<10000x64xf32, #tpu.memory_space<vmem_shared>> -> memref<128x64xf32, #tpu.memory_space<vmem_shared>>
      %dma_start3A_69 = arith.constant 0 : i32
      %dma_start3A_70 = tpu.memref_slice %arg11[%multiple_of3A_16, %dma_start3A_69] : memref<10000x64xf32, #tpu.memory_space<vmem_shared>> -> memref<128x64xf32, #tpu.memory_space<vmem_shared>>
      %dma_start3A_71 = arith.constant 0 : i32
      %dma_start3A_72 = arith.constant 0 : i32
      %dma_start3A_73 = tpu.memref_slice %arg10[%dma_start3A_71, %dma_start3A_72] : memref<128x64xf32, #tpu.memory_space<vmem>> -> memref<128x64xf32, #tpu.memory_space<vmem>>
      tpu.enqueue_dma source(%dma_start3A_73 : memref<128x64xf32, #tpu.memory_space<vmem>>) target(%dma_start3A_70 : memref<128x64xf32, #tpu.memory_space<vmem_shared>>) target_semaphore(%run_scoped3A : memref<!tpu.dma_semaphore, #tpu.memory_space<semaphore_mem>>)
      %dma_wait3A_74 = arith.constant 0 : i32
      %dma_wait3A_75 = arith.constant 0 : i32
      %dma_wait3A_76 = tpu.memref_slice %arg10[%dma_wait3A_74, %dma_wait3A_75] : memref<128x64xf32, #tpu.memory_space<vmem>> -> memref<128x64xf32, #tpu.memory_space<vmem>>
      %dma_wait3A_77 = arith.constant 0 : i32
      %dma_wait3A_78 = tpu.memref_slice %arg11[%multiple_of3A_16, %dma_wait3A_77] : memref<10000x64xf32, #tpu.memory_space<vmem_shared>> -> memref<128x64xf32, #tpu.memory_space<vmem_shared>>
      %dma_wait3A_79 = arith.constant 0 : i32
      %dma_wait3A_80 = tpu.memref_slice %arg11[%multiple_of3A_16, %dma_wait3A_79] : memref<10000x64xf32, #tpu.memory_space<vmem_shared>> -> memref<128x64xf32, #tpu.memory_space<vmem_shared>>
      %dma_wait3A_81 = arith.constant 0 : i32
      %dma_wait3A_82 = arith.constant 0 : i32
      %dma_wait3A_83 = tpu.memref_slice %arg10[%dma_wait3A_81, %dma_wait3A_82] : memref<128x64xf32, #tpu.memory_space<vmem>> -> memref<128x64xf32, #tpu.memory_space<vmem>>
      tpu.wait_dma2 semaphore(%run_scoped3A : memref<!tpu.dma_semaphore, #tpu.memory_space<semaphore_mem>>) src(%dma_wait3A_83 : memref<128x64xf32, #tpu.memory_space<vmem>>) dst(%dma_wait3A_80 : memref<128x64xf32, #tpu.memory_space<vmem_shared>>)
      tpu.yield
    }) : () -> ()
    %add3A_17 = arith.constant 256 : i32
    %add3A_18 = arith.addi %multiple_of3A, %add3A_17 : i32
    %multiple_of3A_19 = tpu.assume_multiple %add3A_18, 8 : i32
    "tpu.region"() ({
      %run_scoped3A = tpu.sem_alloc : memref<!tpu.dma_semaphore, #tpu.memory_space<semaphore_mem>>
      %dma_start3A_64 = arith.constant 0 : i32
      %dma_start3A_65 = arith.constant 0 : i32
      %dma_start3A_66 = tpu.memref_slice %arg10[%dma_start3A_64, %dma_start3A_65] : memref<128x64xf32, #tpu.memory_space<vmem>> -> memref<128x64xf32, #tpu.memory_space<vmem>>
      %dma_start3A_67 = arith.constant 0 : i32
      %dma_start3A_68 = tpu.memref_slice %arg11[%multiple_of3A_19, %dma_start3A_67] : memref<10000x64xf32, #tpu.memory_space<vmem_shared>> -> memref<128x64xf32, #tpu.memory_space<vmem_shared>>
      %dma_start3A_69 = arith.constant 0 : i32
      %dma_start3A_70 = tpu.memref_slice %arg11[%multiple_of3A_19, %dma_start3A_69] : memref<10000x64xf32, #tpu.memory_space<vmem_shared>> -> memref<128x64xf32, #tpu.memory_space<vmem_shared>>
      %dma_start3A_71 = arith.constant 0 : i32
      %dma_start3A_72 = arith.constant 0 : i32
      %dma_start3A_73 = tpu.memref_slice %arg10[%dma_start3A_71, %dma_start3A_72] : memref<128x64xf32, #tpu.memory_space<vmem>> -> memref<128x64xf32, #tpu.memory_space<vmem>>
      tpu.enqueue_dma source(%dma_start3A_73 : memref<128x64xf32, #tpu.memory_space<vmem>>) target(%dma_start3A_70 : memref<128x64xf32, #tpu.memory_space<vmem_shared>>) target_semaphore(%run_scoped3A : memref<!tpu.dma_semaphore, #tpu.memory_space<semaphore_mem>>)
      %dma_wait3A_74 = arith.constant 0 : i32
      %dma_wait3A_75 = arith.constant 0 : i32
      %dma_wait3A_76 = tpu.memref_slice %arg10[%dma_wait3A_74, %dma_wait3A_75] : memref<128x64xf32, #tpu.memory_space<vmem>> -> memref<128x64xf32, #tpu.memory_space<vmem>>
      %dma_wait3A_77 = arith.constant 0 : i32
      %dma_wait3A_78 = tpu.memref_slice %arg11[%multiple_of3A_19, %dma_wait3A_77] : memref<10000x64xf32, #tpu.memory_space<vmem_shared>> -> memref<128x64xf32, #tpu.memory_space<vmem_shared>>
      %dma_wait3A_79 = arith.constant 0 : i32
      %dma_wait3A_80 = tpu.memref_slice %arg11[%multiple_of3A_19, %dma_wait3A_79] : memref<10000x64xf32, #tpu.memory_space<vmem_shared>> -> memref<128x64xf32, #tpu.memory_space<vmem_shared>>
      %dma_wait3A_81 = arith.constant 0 : i32
      %dma_wait3A_82 = arith.constant 0 : i32
      %dma_wait3A_83 = tpu.memref_slice %arg10[%dma_wait3A_81, %dma_wait3A_82] : memref<128x64xf32, #tpu.memory_space<vmem>> -> memref<128x64xf32, #tpu.memory_space<vmem>>
      tpu.wait_dma2 semaphore(%run_scoped3A : memref<!tpu.dma_semaphore, #tpu.memory_space<semaphore_mem>>) src(%dma_wait3A_83 : memref<128x64xf32, #tpu.memory_space<vmem>>) dst(%dma_wait3A_80 : memref<128x64xf32, #tpu.memory_space<vmem_shared>>)
      tpu.yield
    }) : () -> ()
    %add3A_20 = arith.constant 384 : i32
    %add3A_21 = arith.addi %multiple_of3A, %add3A_20 : i32
    %multiple_of3A_22 = tpu.assume_multiple %add3A_21, 8 : i32
    "tpu.region"() ({
      %run_scoped3A = tpu.sem_alloc : memref<!tpu.dma_semaphore, #tpu.memory_space<semaphore_mem>>
      %dma_start3A_64 = arith.constant 0 : i32
      %dma_start3A_65 = arith.constant 0 : i32
      %dma_start3A_66 = tpu.memref_slice %arg10[%dma_start3A_64, %dma_start3A_65] : memref<128x64xf32, #tpu.memory_space<vmem>> -> memref<128x64xf32, #tpu.memory_space<vmem>>
      %dma_start3A_67 = arith.constant 0 : i32
      %dma_start3A_68 = tpu.memref_slice %arg11[%multiple_of3A_22, %dma_start3A_67] : memref<10000x64xf32, #tpu.memory_space<vmem_shared>> -> memref<128x64xf32, #tpu.memory_space<vmem_shared>>
      %dma_start3A_69 = arith.constant 0 : i32
      %dma_start3A_70 = tpu.memref_slice %arg11[%multiple_of3A_22, %dma_start3A_69] : memref<10000x64xf32, #tpu.memory_space<vmem_shared>> -> memref<128x64xf32, #tpu.memory_space<vmem_shared>>
      %dma_start3A_71 = arith.constant 0 : i32
      %dma_start3A_72 = arith.constant 0 : i32
      %dma_start3A_73 = tpu.memref_slice %arg10[%dma_start3A_71, %dma_start3A_72] : memref<128x64xf32, #tpu.memory_space<vmem>> -> memref<128x64xf32, #tpu.memory_space<vmem>>
      tpu.enqueue_dma source(%dma_start3A_73 : memref<128x64xf32, #tpu.memory_space<vmem>>) target(%dma_start3A_70 : memref<128x64xf32, #tpu.memory_space<vmem_shared>>) target_semaphore(%run_scoped3A : memref<!tpu.dma_semaphore, #tpu.memory_space<semaphore_mem>>)
      %dma_wait3A_74 = arith.constant 0 : i32
      %dma_wait3A_75 = arith.constant 0 : i32
      %dma_wait3A_76 = tpu.memref_slice %arg10[%dma_wait3A_74, %dma_wait3A_75] : memref<128x64xf32, #tpu.memory_space<vmem>> -> memref<128x64xf32, #tpu.memory_space<vmem>>
      %dma_wait3A_77 = arith.constant 0 : i32
      %dma_wait3A_78 = tpu.memref_slice %arg11[%multiple_of3A_22, %dma_wait3A_77] : memref<10000x64xf32, #tpu.memory_space<vmem_shared>> -> memref<128x64xf32, #tpu.memory_space<vmem_shared>>
      %dma_wait3A_79 = arith.constant 0 : i32
      %dma_wait3A_80 = tpu.memref_slice %arg11[%multiple_of3A_22, %dma_wait3A_79] : memref<10000x64xf32, #tpu.memory_space<vmem_shared>> -> memref<128x64xf32, #tpu.memory_space<vmem_shared>>
      %dma_wait3A_81 = arith.constant 0 : i32
      %dma_wait3A_82 = arith.constant 0 : i32
      %dma_wait3A_83 = tpu.memref_slice %arg10[%dma_wait3A_81, %dma_wait3A_82] : memref<128x64xf32, #tpu.memory_space<vmem>> -> memref<128x64xf32, #tpu.memory_space<vmem>>
      tpu.wait_dma2 semaphore(%run_scoped3A : memref<!tpu.dma_semaphore, #tpu.memory_space<semaphore_mem>>) src(%dma_wait3A_83 : memref<128x64xf32, #tpu.memory_space<vmem>>) dst(%dma_wait3A_80 : memref<128x64xf32, #tpu.memory_space<vmem_shared>>)
      tpu.yield
    }) : () -> ()
    %add3A_23 = arith.constant 512 : i32
    %add3A_24 = arith.addi %multiple_of3A, %add3A_23 : i32
    %multiple_of3A_25 = tpu.assume_multiple %add3A_24, 8 : i32
    "tpu.region"() ({
      %run_scoped3A = tpu.sem_alloc : memref<!tpu.dma_semaphore, #tpu.memory_space<semaphore_mem>>
      %dma_start3A_64 = arith.constant 0 : i32
      %dma_start3A_65 = arith.constant 0 : i32
      %dma_start3A_66 = tpu.memref_slice %arg10[%dma_start3A_64, %dma_start3A_65] : memref<128x64xf32, #tpu.memory_space<vmem>> -> memref<120x64xf32, #tpu.memory_space<vmem>>
      %dma_start3A_67 = arith.constant 0 : i32
      %dma_start3A_68 = tpu.memref_slice %arg11[%multiple_of3A_25, %dma_start3A_67] : memref<10000x64xf32, #tpu.memory_space<vmem_shared>> -> memref<120x64xf32, #tpu.memory_space<vmem_shared>>
      %dma_start3A_69 = arith.constant 0 : i32
      %dma_start3A_70 = tpu.memref_slice %arg11[%multiple_of3A_25, %dma_start3A_69] : memref<10000x64xf32, #tpu.memory_space<vmem_shared>> -> memref<120x64xf32, #tpu.memory_space<vmem_shared>>
      %dma_start3A_71 = arith.constant 0 : i32
      %dma_start3A_72 = arith.constant 0 : i32
      %dma_start3A_73 = tpu.memref_slice %arg10[%dma_start3A_71, %dma_start3A_72] : memref<128x64xf32, #tpu.memory_space<vmem>> -> memref<120x64xf32, #tpu.memory_space<vmem>>
      tpu.enqueue_dma source(%dma_start3A_73 : memref<120x64xf32, #tpu.memory_space<vmem>>) target(%dma_start3A_70 : memref<120x64xf32, #tpu.memory_space<vmem_shared>>) target_semaphore(%run_scoped3A : memref<!tpu.dma_semaphore, #tpu.memory_space<semaphore_mem>>)
      %dma_wait3A_74 = arith.constant 0 : i32
      %dma_wait3A_75 = arith.constant 0 : i32
      %dma_wait3A_76 = tpu.memref_slice %arg10[%dma_wait3A_74, %dma_wait3A_75] : memref<128x64xf32, #tpu.memory_space<vmem>> -> memref<120x64xf32, #tpu.memory_space<vmem>>
      %dma_wait3A_77 = arith.constant 0 : i32
      %dma_wait3A_78 = tpu.memref_slice %arg11[%multiple_of3A_25, %dma_wait3A_77] : memref<10000x64xf32, #tpu.memory_space<vmem_shared>> -> memref<120x64xf32, #tpu.memory_space<vmem_shared>>
      %dma_wait3A_79 = arith.constant 0 : i32
      %dma_wait3A_80 = tpu.memref_slice %arg11[%multiple_of3A_25, %dma_wait3A_79] : memref<10000x64xf32, #tpu.memory_space<vmem_shared>> -> memref<120x64xf32, #tpu.memory_space<vmem_shared>>
      %dma_wait3A_81 = arith.constant 0 : i32
      %dma_wait3A_82 = arith.constant 0 : i32
      %dma_wait3A_83 = tpu.memref_slice %arg10[%dma_wait3A_81, %dma_wait3A_82] : memref<128x64xf32, #tpu.memory_space<vmem>> -> memref<120x64xf32, #tpu.memory_space<vmem>>
      tpu.wait_dma2 semaphore(%run_scoped3A : memref<!tpu.dma_semaphore, #tpu.memory_space<semaphore_mem>>) src(%dma_wait3A_83 : memref<120x64xf32, #tpu.memory_space<vmem>>) dst(%dma_wait3A_80 : memref<120x64xf32, #tpu.memory_space<vmem_shared>>)
      tpu.yield
    }) : () -> ()
    %barrier3A = arith.constant 0 : index
    tpu.barrier barrier_id(%barrier3A)
    %mul3A_26 = arith.constant 10000 : i32
    %mul3A_27 = arith.muli %add3A, %mul3A_26 : i32
    %scan3A_28 = arith.constant 0 : i32
    %scan3A_29 = arith.constant 0 : i32
    %scan3A_30 = arith.constant 78 : i32
    %scan3A_31 = arith.addi %scan3A_29, %scan3A_30 : i32
    %scan3A_32 = arith.constant 1 : i32
    %scan3A_33 = scf.for %scan3A_64 = %scan3A_29 to %scan3A_31 step %scan3A_32 iter_args(%scan3A_65 = %scan3A_28) -> (i32)  : i32 {
      %mul3A_66 = arith.constant 128 : i32
      %mul3A_67 = arith.muli %scan3A_64, %mul3A_66 : i32
      %add3A_68 = arith.addi %mul3A_27, %mul3A_67 : i32
      %multiple_of3A_69 = tpu.assume_multiple %add3A_68, 8 : i32
      "tpu.region"() ({
        %run_scoped3A = tpu.sem_alloc : memref<!tpu.dma_semaphore, #tpu.memory_space<semaphore_mem>>
        %dma_start3A_77 = tpu.memref_slice %arg3[%multiple_of3A_69] : memref<320000xi32, #tpu.memory_space<hbm>> -> memref<128xi32, #tpu.memory_space<hbm>>
        %dma_start3A_78 = tpu.memref_slice %arg3[%multiple_of3A_69] : memref<320000xi32, #tpu.memory_space<hbm>> -> memref<128xi32, #tpu.memory_space<hbm>>
        tpu.enqueue_dma source(%dma_start3A_78 : memref<128xi32, #tpu.memory_space<hbm>>) target(%arg6 : memref<128xi32, #tpu.memory_space<vmem>>) target_semaphore(%run_scoped3A : memref<!tpu.dma_semaphore, #tpu.memory_space<semaphore_mem>>)
        %dma_wait3A_79 = tpu.memref_slice %arg3[%multiple_of3A_69] : memref<320000xi32, #tpu.memory_space<hbm>> -> memref<128xi32, #tpu.memory_space<hbm>>
        %dma_wait3A_80 = tpu.memref_slice %arg3[%multiple_of3A_69] : memref<320000xi32, #tpu.memory_space<hbm>> -> memref<128xi32, #tpu.memory_space<hbm>>
        tpu.wait_dma2 semaphore(%run_scoped3A : memref<!tpu.dma_semaphore, #tpu.memory_space<semaphore_mem>>) src(%dma_wait3A_80 : memref<128xi32, #tpu.memory_space<hbm>>) dst(%arg6 : memref<128xi32, #tpu.memory_space<vmem>>)
        tpu.yield
      }) : () -> ()
      "tpu.region"() ({
        %run_scoped3A = tpu.sem_alloc : memref<!tpu.dma_semaphore, #tpu.memory_space<semaphore_mem>>
        %dma_start3A_77 = tpu.memref_slice %arg4[%multiple_of3A_69] : memref<320000xi32, #tpu.memory_space<hbm>> -> memref<128xi32, #tpu.memory_space<hbm>>
        %dma_start3A_78 = tpu.memref_slice %arg4[%multiple_of3A_69] : memref<320000xi32, #tpu.memory_space<hbm>> -> memref<128xi32, #tpu.memory_space<hbm>>
        tpu.enqueue_dma source(%dma_start3A_78 : memref<128xi32, #tpu.memory_space<hbm>>) target(%arg7 : memref<128xi32, #tpu.memory_space<vmem>>) target_semaphore(%run_scoped3A : memref<!tpu.dma_semaphore, #tpu.memory_space<semaphore_mem>>)
        %dma_wait3A_79 = tpu.memref_slice %arg4[%multiple_of3A_69] : memref<320000xi32, #tpu.memory_space<hbm>> -> memref<128xi32, #tpu.memory_space<hbm>>
        %dma_wait3A_80 = tpu.memref_slice %arg4[%multiple_of3A_69] : memref<320000xi32, #tpu.memory_space<hbm>> -> memref<128xi32, #tpu.memory_space<hbm>>
        tpu.wait_dma2 semaphore(%run_scoped3A : memref<!tpu.dma_semaphore, #tpu.memory_space<semaphore_mem>>) src(%dma_wait3A_80 : memref<128xi32, #tpu.memory_space<hbm>>) dst(%arg7 : memref<128xi32, #tpu.memory_space<vmem>>)
        tpu.yield
      }) : () -> ()
      %dma_start3A_70 = arith.constant 0 : i32
      %dma_start3A_71 = arith.constant 0 : i32
      %dma_start3A_72 = tpu.memref_slice %arg2[%dma_start3A_70, %dma_start3A_71] : memref<10000x64xf32, #tpu.memory_space<hbm>> -> memref<10000x64xf32, #tpu.memory_space<hbm>>
      tpu.enqueue_indirect_dma source(%dma_start3A_72 : memref<10000x64xf32, #tpu.memory_space<hbm>>) target(%arg10 : memref<128x64xf32, #tpu.memory_space<vmem>>) offsets(%arg6 : memref<128xi32, #tpu.memory_space<vmem>>) semaphore(%arg12 : memref<!tpu.dma_semaphore, #tpu.memory_space<semaphore_mem>>)
      %dma_wait3A_73 = arith.constant 0 : i32
      %dma_wait3A_74 = arith.constant 0 : i32
      %dma_wait3A_75 = tpu.memref_slice %arg2[%dma_wait3A_73, %dma_wait3A_74] : memref<10000x64xf32, #tpu.memory_space<hbm>> -> memref<10000x64xf32, #tpu.memory_space<hbm>>
      tpu.wait_indirect_dma semaphore(%arg12 : memref<!tpu.dma_semaphore, #tpu.memory_space<semaphore_mem>>) src(%dma_wait3A_75 : memref<10000x64xf32, #tpu.memory_space<hbm>>) dst(%arg10 : memref<128x64xf32, #tpu.memory_space<vmem>>)
      "tpu.region"() ({
        %run_scoped3A = tpu.sem_alloc : memref<!tpu.dma_semaphore, #tpu.memory_space<semaphore_mem>>
        %dma_start3A_77 = arith.constant 0 : i32
        %dma_start3A_78 = arith.constant 0 : i32
        %dma_start3A_79 = tpu.memref_slice %arg11[%dma_start3A_77, %dma_start3A_78] : memref<10000x64xf32, #tpu.memory_space<vmem_shared>> -> memref<10000x64xf32, #tpu.memory_space<vmem_shared>>
        tpu.enqueue_indirect_dma source(%arg10 : memref<128x64xf32, #tpu.memory_space<vmem>>) target(%dma_start3A_79 : memref<10000x64xf32, #tpu.memory_space<vmem_shared>>) offsets(%arg7 : memref<128xi32, #tpu.memory_space<vmem>>) semaphore(%run_scoped3A : memref<!tpu.dma_semaphore, #tpu.memory_space<semaphore_mem>>) {add = true}
        %dma_wait3A_80 = arith.constant 0 : i32
        %dma_wait3A_81 = arith.constant 0 : i32
        %dma_wait3A_82 = tpu.memref_slice %arg11[%dma_wait3A_80, %dma_wait3A_81] : memref<10000x64xf32, #tpu.memory_space<vmem_shared>> -> memref<10000x64xf32, #tpu.memory_space<vmem_shared>>
        tpu.wait_indirect_dma semaphore(%run_scoped3A : memref<!tpu.dma_semaphore, #tpu.memory_space<semaphore_mem>>) src(%arg10 : memref<128x64xf32, #tpu.memory_space<vmem>>) dst(%dma_wait3A_82 : memref<10000x64xf32, #tpu.memory_space<vmem_shared>>)
        tpu.yield
      }) : () -> ()
      %scan3A_76 = arith.constant 0 : i32
      scf.yield %scan3A_76 : i32
    }
    %scan3A_34 = arith.constant 78 : i32
    %add3A_35 = arith.constant 9984 : i32
    %add3A_36 = arith.addi %mul3A_27, %add3A_35 : i32
    %multiple_of3A_37 = tpu.assume_multiple %add3A_36, 8 : i32
    "tpu.region"() ({
      %run_scoped3A = tpu.sem_alloc : memref<!tpu.dma_semaphore, #tpu.memory_space<semaphore_mem>>
      %dma_start3A_64 = tpu.memref_slice %arg3[%multiple_of3A_37] : memref<320000xi32, #tpu.memory_space<hbm>> -> memref<16xi32, #tpu.memory_space<hbm>>
      %dma_start3A_65 = tpu.memref_slice %arg3[%multiple_of3A_37] : memref<320000xi32, #tpu.memory_space<hbm>> -> memref<16xi32, #tpu.memory_space<hbm>>
      tpu.enqueue_dma source(%dma_start3A_65 : memref<16xi32, #tpu.memory_space<hbm>>) target(%arg8 : memref<16xi32, #tpu.memory_space<vmem>>) target_semaphore(%run_scoped3A : memref<!tpu.dma_semaphore, #tpu.memory_space<semaphore_mem>>)
      %dma_wait3A_66 = tpu.memref_slice %arg3[%multiple_of3A_37] : memref<320000xi32, #tpu.memory_space<hbm>> -> memref<16xi32, #tpu.memory_space<hbm>>
      %dma_wait3A_67 = tpu.memref_slice %arg3[%multiple_of3A_37] : memref<320000xi32, #tpu.memory_space<hbm>> -> memref<16xi32, #tpu.memory_space<hbm>>
      tpu.wait_dma2 semaphore(%run_scoped3A : memref<!tpu.dma_semaphore, #tpu.memory_space<semaphore_mem>>) src(%dma_wait3A_67 : memref<16xi32, #tpu.memory_space<hbm>>) dst(%arg8 : memref<16xi32, #tpu.memory_space<vmem>>)
      tpu.yield
    }) : () -> ()
    "tpu.region"() ({
      %run_scoped3A = tpu.sem_alloc : memref<!tpu.dma_semaphore, #tpu.memory_space<semaphore_mem>>
      %dma_start3A_64 = tpu.memref_slice %arg4[%multiple_of3A_37] : memref<320000xi32, #tpu.memory_space<hbm>> -> memref<16xi32, #tpu.memory_space<hbm>>
      %dma_start3A_65 = tpu.memref_slice %arg4[%multiple_of3A_37] : memref<320000xi32, #tpu.memory_space<hbm>> -> memref<16xi32, #tpu.memory_space<hbm>>
      tpu.enqueue_dma source(%dma_start3A_65 : memref<16xi32, #tpu.memory_space<hbm>>) target(%arg9 : memref<16xi32, #tpu.memory_space<vmem>>) target_semaphore(%run_scoped3A : memref<!tpu.dma_semaphore, #tpu.memory_space<semaphore_mem>>)
      %dma_wait3A_66 = tpu.memref_slice %arg4[%multiple_of3A_37] : memref<320000xi32, #tpu.memory_space<hbm>> -> memref<16xi32, #tpu.memory_space<hbm>>
      %dma_wait3A_67 = tpu.memref_slice %arg4[%multiple_of3A_37] : memref<320000xi32, #tpu.memory_space<hbm>> -> memref<16xi32, #tpu.memory_space<hbm>>
      tpu.wait_dma2 semaphore(%run_scoped3A : memref<!tpu.dma_semaphore, #tpu.memory_space<semaphore_mem>>) src(%dma_wait3A_67 : memref<16xi32, #tpu.memory_space<hbm>>) dst(%arg9 : memref<16xi32, #tpu.memory_space<vmem>>)
      tpu.yield
    }) : () -> ()
    %dma_start3A = arith.constant 0 : i32
    %dma_start3A_38 = arith.constant 0 : i32
    %dma_start3A_39 = tpu.memref_slice %arg10[%dma_start3A, %dma_start3A_38] : memref<128x64xf32, #tpu.memory_space<vmem>> -> memref<16x64xf32, #tpu.memory_space<vmem>>
    %dma_start3A_40 = arith.constant 0 : i32
    %dma_start3A_41 = arith.constant 0 : i32
    %dma_start3A_42 = tpu.memref_slice %arg2[%dma_start3A_40, %dma_start3A_41] : memref<10000x64xf32, #tpu.memory_space<hbm>> -> memref<10000x64xf32, #tpu.memory_space<hbm>>
    tpu.enqueue_indirect_dma source(%dma_start3A_42 : memref<10000x64xf32, #tpu.memory_space<hbm>>) target(%dma_start3A_39 : memref<16x64xf32, #tpu.memory_space<vmem>>) offsets(%arg8 : memref<16xi32, #tpu.memory_space<vmem>>) semaphore(%arg12 : memref<!tpu.dma_semaphore, #tpu.memory_space<semaphore_mem>>)
    %dma_wait3A = arith.constant 0 : i32
    %dma_wait3A_43 = arith.constant 0 : i32
    %dma_wait3A_44 = tpu.memref_slice %arg10[%dma_wait3A, %dma_wait3A_43] : memref<128x64xf32, #tpu.memory_space<vmem>> -> memref<16x64xf32, #tpu.memory_space<vmem>>
    %dma_wait3A_45 = arith.constant 0 : i32
    %dma_wait3A_46 = arith.constant 0 : i32
    %dma_wait3A_47 = tpu.memref_slice %arg2[%dma_wait3A_45, %dma_wait3A_46] : memref<10000x64xf32, #tpu.memory_space<hbm>> -> memref<10000x64xf32, #tpu.memory_space<hbm>>
    tpu.wait_indirect_dma semaphore(%arg12 : memref<!tpu.dma_semaphore, #tpu.memory_space<semaphore_mem>>) src(%dma_wait3A_47 : memref<10000x64xf32, #tpu.memory_space<hbm>>) dst(%dma_wait3A_44 : memref<16x64xf32, #tpu.memory_space<vmem>>)
    "tpu.region"() ({
      %run_scoped3A = tpu.sem_alloc : memref<!tpu.dma_semaphore, #tpu.memory_space<semaphore_mem>>
      %dma_start3A_64 = arith.constant 0 : i32
      %dma_start3A_65 = arith.constant 0 : i32
      %dma_start3A_66 = tpu.memref_slice %arg10[%dma_start3A_64, %dma_start3A_65] : memref<128x64xf32, #tpu.memory_space<vmem>> -> memref<16x64xf32, #tpu.memory_space<vmem>>
      %dma_start3A_67 = arith.constant 0 : i32
      %dma_start3A_68 = arith.constant 0 : i32
      %dma_start3A_69 = tpu.memref_slice %arg11[%dma_start3A_67, %dma_start3A_68] : memref<10000x64xf32, #tpu.memory_space<vmem_shared>> -> memref<10000x64xf32, #tpu.memory_space<vmem_shared>>
      tpu.enqueue_indirect_dma source(%dma_start3A_66 : memref<16x64xf32, #tpu.memory_space<vmem>>) target(%dma_start3A_69 : memref<10000x64xf32, #tpu.memory_space<vmem_shared>>) offsets(%arg9 : memref<16xi32, #tpu.memory_space<vmem>>) semaphore(%run_scoped3A : memref<!tpu.dma_semaphore, #tpu.memory_space<semaphore_mem>>) {add = true}
      %dma_wait3A_70 = arith.constant 0 : i32
      %dma_wait3A_71 = arith.constant 0 : i32
      %dma_wait3A_72 = tpu.memref_slice %arg10[%dma_wait3A_70, %dma_wait3A_71] : memref<128x64xf32, #tpu.memory_space<vmem>> -> memref<16x64xf32, #tpu.memory_space<vmem>>
      %dma_wait3A_73 = arith.constant 0 : i32
      %dma_wait3A_74 = arith.constant 0 : i32
      %dma_wait3A_75 = tpu.memref_slice %arg11[%dma_wait3A_73, %dma_wait3A_74] : memref<10000x64xf32, #tpu.memory_space<vmem_shared>> -> memref<10000x64xf32, #tpu.memory_space<vmem_shared>>
      tpu.wait_indirect_dma semaphore(%run_scoped3A : memref<!tpu.dma_semaphore, #tpu.memory_space<semaphore_mem>>) src(%dma_wait3A_72 : memref<16x64xf32, #tpu.memory_space<vmem>>) dst(%dma_wait3A_75 : memref<10000x64xf32, #tpu.memory_space<vmem_shared>>)
      tpu.yield
    }) : () -> ()
    %barrier3A_48 = arith.constant 0 : index
    tpu.barrier barrier_id(%barrier3A_48)
    %add3A_49 = arith.constant 0 : i32
    %add3A_50 = arith.addi %multiple_of3A, %add3A_49 : i32
    %multiple_of3A_51 = tpu.assume_multiple %add3A_50, 8 : i32
    "tpu.region"() ({
      %run_scoped3A = tpu.sem_alloc : memref<!tpu.dma_semaphore, #tpu.memory_space<semaphore_mem>>
      %dma_start3A_64 = arith.constant 0 : i32
      %dma_start3A_65 = tpu.memref_slice %arg5[%arg0, %multiple_of3A_51, %dma_start3A_64] : memref<2x10000x64xf32, #tpu.memory_space<hbm>> -> memref<1x128x64xf32, #tpu.memory_space<hbm>>
      %dma_start3A_66 = tpu.memref_squeeze %dma_start3A_65 : memref<1x128x64xf32, #tpu.memory_space<hbm>> -> memref<128x64xf32, #tpu.memory_space<hbm>>
      %dma_start3A_67 = arith.constant 0 : i32
      %dma_start3A_68 = tpu.memref_slice %arg11[%multiple_of3A_51, %dma_start3A_67] : memref<10000x64xf32, #tpu.memory_space<vmem_shared>> -> memref<128x64xf32, #tpu.memory_space<vmem_shared>>
      tpu.enqueue_dma source(%dma_start3A_68 : memref<128x64xf32, #tpu.memory_space<vmem_shared>>) target(%dma_start3A_66 : memref<128x64xf32, #tpu.memory_space<hbm>>) target_semaphore(%run_scoped3A : memref<!tpu.dma_semaphore, #tpu.memory_space<semaphore_mem>>)
      %dma_wait3A_69 = arith.constant 0 : i32
      %dma_wait3A_70 = tpu.memref_slice %arg5[%arg0, %multiple_of3A_51, %dma_wait3A_69] : memref<2x10000x64xf32, #tpu.memory_space<hbm>> -> memref<1x128x64xf32, #tpu.memory_space<hbm>>
      %dma_wait3A_71 = tpu.memref_squeeze %dma_wait3A_70 : memref<1x128x64xf32, #tpu.memory_space<hbm>> -> memref<128x64xf32, #tpu.memory_space<hbm>>
      %dma_wait3A_72 = arith.constant 0 : i32
      %dma_wait3A_73 = tpu.memref_slice %arg11[%multiple_of3A_51, %dma_wait3A_72] : memref<10000x64xf32, #tpu.memory_space<vmem_shared>> -> memref<128x64xf32, #tpu.memory_space<vmem_shared>>
      tpu.wait_dma2 semaphore(%run_scoped3A : memref<!tpu.dma_semaphore, #tpu.memory_space<semaphore_mem>>) src(%dma_wait3A_73 : memref<128x64xf32, #tpu.memory_space<vmem_shared>>) dst(%dma_wait3A_71 : memref<128x64xf32, #tpu.memory_space<hbm>>)
      tpu.yield
    }) : () -> ()
    %add3A_52 = arith.constant 128 : i32
    %add3A_53 = arith.addi %multiple_of3A, %add3A_52 : i32
    %multiple_of3A_54 = tpu.assume_multiple %add3A_53, 8 : i32
    "tpu.region"() ({
      %run_scoped3A = tpu.sem_alloc : memref<!tpu.dma_semaphore, #tpu.memory_space<semaphore_mem>>
      %dma_start3A_64 = arith.constant 0 : i32
      %dma_start3A_65 = tpu.memref_slice %arg5[%arg0, %multiple_of3A_54, %dma_start3A_64] : memref<2x10000x64xf32, #tpu.memory_space<hbm>> -> memref<1x128x64xf32, #tpu.memory_space<hbm>>
      %dma_start3A_66 = tpu.memref_squeeze %dma_start3A_65 : memref<1x128x64xf32, #tpu.memory_space<hbm>> -> memref<128x64xf32, #tpu.memory_space<hbm>>
      %dma_start3A_67 = arith.constant 0 : i32
      %dma_start3A_68 = tpu.memref_slice %arg11[%multiple_of3A_54, %dma_start3A_67] : memref<10000x64xf32, #tpu.memory_space<vmem_shared>> -> memref<128x64xf32, #tpu.memory_space<vmem_shared>>
      tpu.enqueue_dma source(%dma_start3A_68 : memref<128x64xf32, #tpu.memory_space<vmem_shared>>) target(%dma_start3A_66 : memref<128x64xf32, #tpu.memory_space<hbm>>) target_semaphore(%run_scoped3A : memref<!tpu.dma_semaphore, #tpu.memory_space<semaphore_mem>>)
      %dma_wait3A_69 = arith.constant 0 : i32
      %dma_wait3A_70 = tpu.memref_slice %arg5[%arg0, %multiple_of3A_54, %dma_wait3A_69] : memref<2x10000x64xf32, #tpu.memory_space<hbm>> -> memref<1x128x64xf32, #tpu.memory_space<hbm>>
      %dma_wait3A_71 = tpu.memref_squeeze %dma_wait3A_70 : memref<1x128x64xf32, #tpu.memory_space<hbm>> -> memref<128x64xf32, #tpu.memory_space<hbm>>
      %dma_wait3A_72 = arith.constant 0 : i32
      %dma_wait3A_73 = tpu.memref_slice %arg11[%multiple_of3A_54, %dma_wait3A_72] : memref<10000x64xf32, #tpu.memory_space<vmem_shared>> -> memref<128x64xf32, #tpu.memory_space<vmem_shared>>
      tpu.wait_dma2 semaphore(%run_scoped3A : memref<!tpu.dma_semaphore, #tpu.memory_space<semaphore_mem>>) src(%dma_wait3A_73 : memref<128x64xf32, #tpu.memory_space<vmem_shared>>) dst(%dma_wait3A_71 : memref<128x64xf32, #tpu.memory_space<hbm>>)
      tpu.yield
    }) : () -> ()
    %add3A_55 = arith.constant 256 : i32
    %add3A_56 = arith.addi %multiple_of3A, %add3A_55 : i32
    %multiple_of3A_57 = tpu.assume_multiple %add3A_56, 8 : i32
    "tpu.region"() ({
      %run_scoped3A = tpu.sem_alloc : memref<!tpu.dma_semaphore, #tpu.memory_space<semaphore_mem>>
      %dma_start3A_64 = arith.constant 0 : i32
      %dma_start3A_65 = tpu.memref_slice %arg5[%arg0, %multiple_of3A_57, %dma_start3A_64] : memref<2x10000x64xf32, #tpu.memory_space<hbm>> -> memref<1x128x64xf32, #tpu.memory_space<hbm>>
      %dma_start3A_66 = tpu.memref_squeeze %dma_start3A_65 : memref<1x128x64xf32, #tpu.memory_space<hbm>> -> memref<128x64xf32, #tpu.memory_space<hbm>>
      %dma_start3A_67 = arith.constant 0 : i32
      %dma_start3A_68 = tpu.memref_slice %arg11[%multiple_of3A_57, %dma_start3A_67] : memref<10000x64xf32, #tpu.memory_space<vmem_shared>> -> memref<128x64xf32, #tpu.memory_space<vmem_shared>>
      tpu.enqueue_dma source(%dma_start3A_68 : memref<128x64xf32, #tpu.memory_space<vmem_shared>>) target(%dma_start3A_66 : memref<128x64xf32, #tpu.memory_space<hbm>>) target_semaphore(%run_scoped3A : memref<!tpu.dma_semaphore, #tpu.memory_space<semaphore_mem>>)
      %dma_wait3A_69 = arith.constant 0 : i32
      %dma_wait3A_70 = tpu.memref_slice %arg5[%arg0, %multiple_of3A_57, %dma_wait3A_69] : memref<2x10000x64xf32, #tpu.memory_space<hbm>> -> memref<1x128x64xf32, #tpu.memory_space<hbm>>
      %dma_wait3A_71 = tpu.memref_squeeze %dma_wait3A_70 : memref<1x128x64xf32, #tpu.memory_space<hbm>> -> memref<128x64xf32, #tpu.memory_space<hbm>>
      %dma_wait3A_72 = arith.constant 0 : i32
      %dma_wait3A_73 = tpu.memref_slice %arg11[%multiple_of3A_57, %dma_wait3A_72] : memref<10000x64xf32, #tpu.memory_space<vmem_shared>> -> memref<128x64xf32, #tpu.memory_space<vmem_shared>>
      tpu.wait_dma2 semaphore(%run_scoped3A : memref<!tpu.dma_semaphore, #tpu.memory_space<semaphore_mem>>) src(%dma_wait3A_73 : memref<128x64xf32, #tpu.memory_space<vmem_shared>>) dst(%dma_wait3A_71 : memref<128x64xf32, #tpu.memory_space<hbm>>)
      tpu.yield
    }) : () -> ()
    %add3A_58 = arith.constant 384 : i32
    %add3A_59 = arith.addi %multiple_of3A, %add3A_58 : i32
    %multiple_of3A_60 = tpu.assume_multiple %add3A_59, 8 : i32
    "tpu.region"() ({
      %run_scoped3A = tpu.sem_alloc : memref<!tpu.dma_semaphore, #tpu.memory_space<semaphore_mem>>
      %dma_start3A_64 = arith.constant 0 : i32
      %dma_start3A_65 = tpu.memref_slice %arg5[%arg0, %multiple_of3A_60, %dma_start3A_64] : memref<2x10000x64xf32, #tpu.memory_space<hbm>> -> memref<1x128x64xf32, #tpu.memory_space<hbm>>
      %dma_start3A_66 = tpu.memref_squeeze %dma_start3A_65 : memref<1x128x64xf32, #tpu.memory_space<hbm>> -> memref<128x64xf32, #tpu.memory_space<hbm>>
      %dma_start3A_67 = arith.constant 0 : i32
      %dma_start3A_68 = tpu.memref_slice %arg11[%multiple_of3A_60, %dma_start3A_67] : memref<10000x64xf32, #tpu.memory_space<vmem_shared>> -> memref<128x64xf32, #tpu.memory_space<vmem_shared>>
      tpu.enqueue_dma source(%dma_start3A_68 : memref<128x64xf32, #tpu.memory_space<vmem_shared>>) target(%dma_start3A_66 : memref<128x64xf32, #tpu.memory_space<hbm>>) target_semaphore(%run_scoped3A : memref<!tpu.dma_semaphore, #tpu.memory_space<semaphore_mem>>)
      %dma_wait3A_69 = arith.constant 0 : i32
      %dma_wait3A_70 = tpu.memref_slice %arg5[%arg0, %multiple_of3A_60, %dma_wait3A_69] : memref<2x10000x64xf32, #tpu.memory_space<hbm>> -> memref<1x128x64xf32, #tpu.memory_space<hbm>>
      %dma_wait3A_71 = tpu.memref_squeeze %dma_wait3A_70 : memref<1x128x64xf32, #tpu.memory_space<hbm>> -> memref<128x64xf32, #tpu.memory_space<hbm>>
      %dma_wait3A_72 = arith.constant 0 : i32
      %dma_wait3A_73 = tpu.memref_slice %arg11[%multiple_of3A_60, %dma_wait3A_72] : memref<10000x64xf32, #tpu.memory_space<vmem_shared>> -> memref<128x64xf32, #tpu.memory_space<vmem_shared>>
      tpu.wait_dma2 semaphore(%run_scoped3A : memref<!tpu.dma_semaphore, #tpu.memory_space<semaphore_mem>>) src(%dma_wait3A_73 : memref<128x64xf32, #tpu.memory_space<vmem_shared>>) dst(%dma_wait3A_71 : memref<128x64xf32, #tpu.memory_space<hbm>>)
      tpu.yield
    }) : () -> ()
    %add3A_61 = arith.constant 512 : i32
    %add3A_62 = arith.addi %multiple_of3A, %add3A_61 : i32
    %multiple_of3A_63 = tpu.assume_multiple %add3A_62, 8 : i32
    "tpu.region"() ({
      %run_scoped3A = tpu.sem_alloc : memref<!tpu.dma_semaphore, #tpu.memory_space<semaphore_mem>>
      %dma_start3A_64 = arith.constant 0 : i32
      %dma_start3A_65 = tpu.memref_slice %arg5[%arg0, %multiple_of3A_63, %dma_start3A_64] : memref<2x10000x64xf32, #tpu.memory_space<hbm>> -> memref<1x120x64xf32, #tpu.memory_space<hbm>>
      %dma_start3A_66 = tpu.memref_squeeze %dma_start3A_65 : memref<1x120x64xf32, #tpu.memory_space<hbm>> -> memref<120x64xf32, #tpu.memory_space<hbm>>
      %dma_start3A_67 = arith.constant 0 : i32
      %dma_start3A_68 = tpu.memref_slice %arg11[%multiple_of3A_63, %dma_start3A_67] : memref<10000x64xf32, #tpu.memory_space<vmem_shared>> -> memref<120x64xf32, #tpu.memory_space<vmem_shared>>
      tpu.enqueue_dma source(%dma_start3A_68 : memref<120x64xf32, #tpu.memory_space<vmem_shared>>) target(%dma_start3A_66 : memref<120x64xf32, #tpu.memory_space<hbm>>) target_semaphore(%run_scoped3A : memref<!tpu.dma_semaphore, #tpu.memory_space<semaphore_mem>>)
      %dma_wait3A_69 = arith.constant 0 : i32
      %dma_wait3A_70 = tpu.memref_slice %arg5[%arg0, %multiple_of3A_63, %dma_wait3A_69] : memref<2x10000x64xf32, #tpu.memory_space<hbm>> -> memref<1x120x64xf32, #tpu.memory_space<hbm>>
      %dma_wait3A_71 = tpu.memref_squeeze %dma_wait3A_70 : memref<1x120x64xf32, #tpu.memory_space<hbm>> -> memref<120x64xf32, #tpu.memory_space<hbm>>
      %dma_wait3A_72 = arith.constant 0 : i32
      %dma_wait3A_73 = tpu.memref_slice %arg11[%multiple_of3A_63, %dma_wait3A_72] : memref<10000x64xf32, #tpu.memory_space<vmem_shared>> -> memref<120x64xf32, #tpu.memory_space<vmem_shared>>
      tpu.wait_dma2 semaphore(%run_scoped3A : memref<!tpu.dma_semaphore, #tpu.memory_space<semaphore_mem>>) src(%dma_wait3A_73 : memref<120x64xf32, #tpu.memory_space<vmem_shared>>) dst(%dma_wait3A_71 : memref<120x64xf32, #tpu.memory_space<hbm>>)
      tpu.yield
    }) : () -> ()
    return
  }
}

module attributes {stable_mosaic.version = 14 : i64} {
  func.func @body(%arg0: i32, %arg1: memref<1000x128xf32, #tpu.memory_space<vmem>>, %arg2: memref<128x64xf32, #tpu.memory_space<vmem>>, %arg3: memref<2x1000x16xf32, #tpu.memory_space<vmem>>, %arg4: memref<1000x64xf32, #tpu.memory_space<vmem>>, %arg5: memref<1000x1xf32, #tpu.memory_space<vmem>>) attributes {dimension_semantics = [#tpu.dimension_semantics<arbitrary>], iteration_bounds = array<i64: 10>, scalar_prefetch = 0 : i64, scratch_operands = 0 : i64, tpu.core_type = #tpu.core_type<tc>, window_params = [{transform_indices = @transform_0, window_bounds = array<i64: 1000, 128>}, {pipeline_mode = #tpu.pipeline_mode<synchronous>, transform_indices = @transform_1, window_bounds = array<i64: 128, 64>}, {transform_indices = @transform_2, window_bounds = array<i64: 2, 1000, 16>}, {transform_indices = @transform_3, window_bounds = array<i64: 1000, 64>}, {transform_indices = @transform_4, window_bounds = array<i64: 1000, 1>}]} {
    %get3A = arith.constant 0 : index
    %get3A_0 = arith.constant 0 : index
    %get3A_1 = arith.constant 0 : index
    %get3A_2 = vector.load %arg3[%get3A, %get3A_0, %get3A_1] : memref<2x1000x16xf32, #tpu.memory_space<vmem>>, vector<1x1000x1xf32>
    %get3A_3 = vector.shape_cast %get3A_2 : vector<1x1000x1xf32> to vector<1000x1xf32>
    %get3A_4 = arith.constant 1 : index
    %get3A_5 = arith.constant 0 : index
    %get3A_6 = arith.constant 0 : index
    %get3A_7 = vector.load %arg3[%get3A_4, %get3A_5, %get3A_6] : memref<2x1000x16xf32, #tpu.memory_space<vmem>>, vector<1x1000x1xf32>
    %get3A_8 = vector.shape_cast %get3A_7 : vector<1x1000x1xf32> to vector<1000x1xf32>
    %add3A = arith.addf %get3A_3, %get3A_8 : vector<1000x1xf32>
    %gt3A = arith.constant 0.000000e+00 : f32
    %gt3A_9 = vector.broadcast %gt3A : f32 to vector<1000x1xf32>
    %gt3A_10 = arith.cmpf ogt, %add3A, %gt3A_9 : vector<1000x1xf32>
    %jit3A = arith.constant 1.000000e+00 : f32
    %broadcast_in_dim3A = vector.broadcast %jit3A : f32 to vector<1000x1xf32>
    %select_n3A = arith.select %gt3A_10, %add3A, %broadcast_in_dim3A : vector<1000x1xi1>, vector<1000x1xf32>
    %rsqrt3A = math.rsqrt %select_n3A : vector<1000x1xf32>
    %jit3A_11 = arith.constant 0.000000e+00 : f32
    %broadcast_in_dim3A_12 = vector.broadcast %jit3A_11 : f32 to vector<1000x1xf32>
    %select_n3A_13 = arith.select %gt3A_10, %rsqrt3A, %broadcast_in_dim3A_12 : vector<1000x1xi1>, vector<1000x1xf32>
    %get3A_14 = arith.constant 0 : index
    %get3A_15 = arith.constant 0 : index
    %get3A_16 = vector.load %arg1[%get3A_14, %get3A_15] : memref<1000x128xf32, #tpu.memory_space<vmem>>, vector<1000x128xf32>
    %get3A_17 = arith.constant 0 : index
    %get3A_18 = arith.constant 0 : index
    %get3A_19 = vector.load %arg2[%get3A_17, %get3A_18] : memref<128x64xf32, #tpu.memory_space<vmem>>, vector<128x64xf32>
    %dot_general3A = arith.constant dense<0.000000e+00> : vector<1000x64xf32>
    %dot_general3A_20 = tpu.matmul %get3A_16, %get3A_19, %dot_general3A {dimension_numbers = #tpu.dot_dimension_numbers<[1], [0], [0], [1], [0, 0, 1, 1], [], []>, transpose_lhs_hint = false} : vector<1000x128xf32>, vector<128x64xf32>, vector<1000x64xf32> -> vector<1000x64xf32>
    %mul3A = vector.broadcast %select_n3A_13 : vector<1000x1xf32> to vector<1000x64xf32>
    %mul3A_21 = arith.mulf %dot_general3A_20, %mul3A : vector<1000x64xf32>
    %swap3A = arith.constant 0 : index
    %swap3A_22 = arith.constant 0 : index
    %swap3A_23 = vector.load %arg4[%swap3A, %swap3A_22] : memref<1000x64xf32, #tpu.memory_space<vmem>>, vector<1000x64xf32>
    tpu.vector_store %arg4[%swap3A, %swap3A_22], %mul3A_21 {strides = array<i32>} : memref<1000x64xf32, #tpu.memory_space<vmem>>, vector<1000x64xf32>,
    %swap3A_24 = arith.constant 0 : index
    %swap3A_25 = arith.constant 0 : index
    %swap3A_26 = vector.load %arg5[%swap3A_24, %swap3A_25] : memref<1000x1xf32, #tpu.memory_space<vmem>>, vector<1000x1xf32>
    tpu.vector_store %arg5[%swap3A_24, %swap3A_25], %select_n3A_13 {strides = array<i32>} : memref<1000x1xf32, #tpu.memory_space<vmem>>, vector<1000x1xf32>,
    return
  }
  func.func @transform_0(%arg0: i32) -> (i32, i32) {
    %c0_i32 = arith.constant 0 : i32
    %c0_i32_0 = arith.constant 0 : i32
    return %arg0, %c0_i32 : i32, i32
  }
  func.func @transform_1(%arg0: i32) -> (i32, i32) {
    %c0_i32 = arith.constant 0 : i32
    %c0_i32_0 = arith.constant 0 : i32
    %c0_i32_1 = arith.constant 0 : i32
    return %c0_i32, %c0_i32_0 : i32, i32
  }
  func.func @transform_2(%arg0: i32) -> (i32, i32, i32) {
    %c0_i32 = arith.constant 0 : i32
    %c0_i32_0 = arith.constant 0 : i32
    %c0_i32_1 = arith.constant 0 : i32
    return %c0_i32, %arg0, %c0_i32_0 : i32, i32, i32
  }
  func.func @transform_3(%arg0: i32) -> (i32, i32) {
    %c0_i32 = arith.constant 0 : i32
    %c0_i32_0 = arith.constant 0 : i32
    return %arg0, %c0_i32 : i32, i32
  }
  func.func @transform_4(%arg0: i32) -> (i32, i32) {
    %c0_i32 = arith.constant 0 : i32
    %c0_i32_0 = arith.constant 0 : i32
    return %arg0, %c0_i32 : i32, i32
  }
}

module attributes {stable_mosaic.version = 14 : i64} {
  func.func @body(%arg0: i32, %arg1: memref<2x1000x64xf32, #tpu.memory_space<vmem>>, %arg2: memref<1000x1xf32, #tpu.memory_space<vmem>>, %arg3: memref<1x64xf32, #tpu.memory_space<vmem>>, %arg4: memref<64x128xf32, #tpu.memory_space<vmem>>, %arg5: memref<1000x128xf32, #tpu.memory_space<vmem>>) attributes {dimension_semantics = [#tpu.dimension_semantics<arbitrary>], iteration_bounds = array<i64: 10>, scalar_prefetch = 0 : i64, scratch_operands = 0 : i64, tpu.core_type = #tpu.core_type<tc>, window_params = [{transform_indices = @transform_0, window_bounds = array<i64: 2, 1000, 64>}, {transform_indices = @transform_1, window_bounds = array<i64: 1000, 1>}, {pipeline_mode = #tpu.pipeline_mode<synchronous>, transform_indices = @transform_2, window_bounds = array<i64: 1, 64>}, {pipeline_mode = #tpu.pipeline_mode<synchronous>, transform_indices = @transform_3, window_bounds = array<i64: 64, 128>}, {transform_indices = @transform_4, window_bounds = array<i64: 1000, 128>}]} {
    %get3A = arith.constant 0 : index
    %get3A_0 = arith.constant 0 : index
    %get3A_1 = arith.constant 0 : index
    %get3A_2 = vector.load %arg1[%get3A, %get3A_0, %get3A_1] : memref<2x1000x64xf32, #tpu.memory_space<vmem>>, vector<1x1000x64xf32>
    %get3A_3 = vector.shape_cast %get3A_2 : vector<1x1000x64xf32> to vector<1000x64xf32>
    %get3A_4 = arith.constant 1 : index
    %get3A_5 = arith.constant 0 : index
    %get3A_6 = arith.constant 0 : index
    %get3A_7 = vector.load %arg1[%get3A_4, %get3A_5, %get3A_6] : memref<2x1000x64xf32, #tpu.memory_space<vmem>>, vector<1x1000x64xf32>
    %get3A_8 = vector.shape_cast %get3A_7 : vector<1x1000x64xf32> to vector<1000x64xf32>
    %add3A = arith.addf %get3A_3, %get3A_8 : vector<1000x64xf32>
    %get3A_9 = arith.constant 0 : index
    %get3A_10 = arith.constant 0 : index
    %get3A_11 = vector.load %arg2[%get3A_9, %get3A_10] : memref<1000x1xf32, #tpu.memory_space<vmem>>, vector<1000x1xf32>
    %mul3A = vector.broadcast %get3A_11 : vector<1000x1xf32> to vector<1000x64xf32>
    %mul3A_12 = arith.mulf %add3A, %mul3A : vector<1000x64xf32>
    %get3A_13 = arith.constant 0 : index
    %get3A_14 = arith.constant 0 : index
    %get3A_15 = vector.load %arg3[%get3A_13, %get3A_14] : memref<1x64xf32, #tpu.memory_space<vmem>>, vector<1x64xf32>
    %add3A_16 = vector.broadcast %get3A_15 : vector<1x64xf32> to vector<1000x64xf32>
    %add3A_17 = arith.addf %mul3A_12, %add3A_16 : vector<1000x64xf32>
    %max3A = arith.constant 0.000000e+00 : f32
    %max3A_18 = vector.broadcast %max3A : f32 to vector<1000x64xf32>
    %max3A_19 = arith.maximumf %add3A_17, %max3A_18 : vector<1000x64xf32>
    %get3A_20 = arith.constant 0 : index
    %get3A_21 = arith.constant 0 : index
    %get3A_22 = vector.load %arg4[%get3A_20, %get3A_21] : memref<64x128xf32, #tpu.memory_space<vmem>>, vector<64x128xf32>
    %dot_general3A = arith.constant dense<0.000000e+00> : vector<1000x128xf32>
    %dot_general3A_23 = tpu.matmul %max3A_19, %get3A_22, %dot_general3A {dimension_numbers = #tpu.dot_dimension_numbers<[1], [0], [0], [1], [0, 0, 1, 1], [], []>, transpose_lhs_hint = false} : vector<1000x64xf32>, vector<64x128xf32>, vector<1000x128xf32> -> vector<1000x128xf32>
    %get3A_24 = arith.constant 0 : index
    %get3A_25 = arith.constant 0 : index
    %get3A_26 = vector.load %arg2[%get3A_24, %get3A_25] : memref<1000x1xf32, #tpu.memory_space<vmem>>, vector<1000x1xf32>
    %mul3A_27 = vector.broadcast %get3A_26 : vector<1000x1xf32> to vector<1000x128xf32>
    %mul3A_28 = arith.mulf %dot_general3A_23, %mul3A_27 : vector<1000x128xf32>
    %swap3A = arith.constant 0 : index
    %swap3A_29 = arith.constant 0 : index
    %swap3A_30 = vector.load %arg5[%swap3A, %swap3A_29] : memref<1000x128xf32, #tpu.memory_space<vmem>>, vector<1000x128xf32>
    tpu.vector_store %arg5[%swap3A, %swap3A_29], %mul3A_28 {strides = array<i32>} : memref<1000x128xf32, #tpu.memory_space<vmem>>, vector<1000x128xf32>,
    return
  }
  func.func @transform_0(%arg0: i32) -> (i32, i32, i32) {
    %c0_i32 = arith.constant 0 : i32
    %c0_i32_0 = arith.constant 0 : i32
    %c0_i32_1 = arith.constant 0 : i32
    return %c0_i32, %arg0, %c0_i32_0 : i32, i32, i32
  }
  func.func @transform_1(%arg0: i32) -> (i32, i32) {
    %c0_i32 = arith.constant 0 : i32
    %c0_i32_0 = arith.constant 0 : i32
    return %arg0, %c0_i32 : i32, i32
  }
  func.func @transform_2(%arg0: i32) -> (i32, i32) {
    %c0_i32 = arith.constant 0 : i32
    %c0_i32_0 = arith.constant 0 : i32
    %c0_i32_1 = arith.constant 0 : i32
    return %c0_i32, %c0_i32_0 : i32, i32
  }
  func.func @transform_3(%arg0: i32) -> (i32, i32) {
    %c0_i32 = arith.constant 0 : i32
    %c0_i32_0 = arith.constant 0 : i32
    %c0_i32_1 = arith.constant 0 : i32
    return %c0_i32, %c0_i32_0 : i32, i32
  }
  func.func @transform_4(%arg0: i32) -> (i32, i32) {
    %c0_i32 = arith.constant 0 : i32
    %c0_i32_0 = arith.constant 0 : i32
    return %arg0, %c0_i32 : i32, i32
  }
}

module attributes {stable_mosaic.version = 14 : i64} {
  func.func @body(%arg0: i32, %arg1: memref<2x1000x128xf32, #tpu.memory_space<vmem>>, %arg2: memref<1000x1xf32, #tpu.memory_space<vmem>>, %arg3: memref<1x128xf32, #tpu.memory_space<vmem>>, %arg4: memref<1000x128xf32, #tpu.memory_space<vmem>>) attributes {dimension_semantics = [#tpu.dimension_semantics<arbitrary>], iteration_bounds = array<i64: 10>, scalar_prefetch = 0 : i64, scratch_operands = 0 : i64, tpu.core_type = #tpu.core_type<tc>, window_params = [{transform_indices = @transform_0, window_bounds = array<i64: 2, 1000, 128>}, {transform_indices = @transform_1, window_bounds = array<i64: 1000, 1>}, {pipeline_mode = #tpu.pipeline_mode<synchronous>, transform_indices = @transform_2, window_bounds = array<i64: 1, 128>}, {transform_indices = @transform_3, window_bounds = array<i64: 1000, 128>}]} {
    %get3A = arith.constant 0 : index
    %get3A_0 = arith.constant 0 : index
    %get3A_1 = arith.constant 0 : index
    %get3A_2 = vector.load %arg1[%get3A, %get3A_0, %get3A_1] : memref<2x1000x128xf32, #tpu.memory_space<vmem>>, vector<1x1000x128xf32>
    %get3A_3 = vector.shape_cast %get3A_2 : vector<1x1000x128xf32> to vector<1000x128xf32>
    %get3A_4 = arith.constant 1 : index
    %get3A_5 = arith.constant 0 : index
    %get3A_6 = arith.constant 0 : index
    %get3A_7 = vector.load %arg1[%get3A_4, %get3A_5, %get3A_6] : memref<2x1000x128xf32, #tpu.memory_space<vmem>>, vector<1x1000x128xf32>
    %get3A_8 = vector.shape_cast %get3A_7 : vector<1x1000x128xf32> to vector<1000x128xf32>
    %add3A = arith.addf %get3A_3, %get3A_8 : vector<1000x128xf32>
    %get3A_9 = arith.constant 0 : index
    %get3A_10 = arith.constant 0 : index
    %get3A_11 = vector.load %arg2[%get3A_9, %get3A_10] : memref<1000x1xf32, #tpu.memory_space<vmem>>, vector<1000x1xf32>
    %mul3A = vector.broadcast %get3A_11 : vector<1000x1xf32> to vector<1000x128xf32>
    %mul3A_12 = arith.mulf %add3A, %mul3A : vector<1000x128xf32>
    %get3A_13 = arith.constant 0 : index
    %get3A_14 = arith.constant 0 : index
    %get3A_15 = vector.load %arg3[%get3A_13, %get3A_14] : memref<1x128xf32, #tpu.memory_space<vmem>>, vector<1x128xf32>
    %add3A_16 = vector.broadcast %get3A_15 : vector<1x128xf32> to vector<1000x128xf32>
    %add3A_17 = arith.addf %mul3A_12, %add3A_16 : vector<1000x128xf32>
    %reduce_max3A = arith.constant dense<0xFF800000> : vector<1000xf32>
    %reduce_max3A_18 = vector.multi_reduction <maximumf>, %add3A_17, %reduce_max3A [1] : vector<1000x128xf32> to vector<1000xf32>
    %broadcast_in_dim3A = vector.shape_cast %reduce_max3A_18 : vector<1000xf32> to vector<1000x1xf32>
    %sub3A = vector.broadcast %broadcast_in_dim3A : vector<1000x1xf32> to vector<1000x128xf32>
    %sub3A_19 = arith.subf %add3A_17, %sub3A : vector<1000x128xf32>
    %exp3A = math.exp %sub3A_19 : vector<1000x128xf32>
    %reduce_sum3A = arith.constant dense<0.000000e+00> : vector<1000xf32>
    %reduce_sum3A_20 = vector.multi_reduction <add>, %exp3A, %reduce_sum3A [1] : vector<1000x128xf32> to vector<1000xf32>
    %broadcast_in_dim3A_21 = vector.shape_cast %reduce_sum3A_20 : vector<1000xf32> to vector<1000x1xf32>
    %sub3A_22 = vector.broadcast %broadcast_in_dim3A : vector<1000x1xf32> to vector<1000x128xf32>
    %sub3A_23 = arith.subf %add3A_17, %sub3A_22 : vector<1000x128xf32>
    %log3A = math.log %broadcast_in_dim3A_21 : vector<1000x1xf32>
    %sub3A_24 = vector.broadcast %log3A : vector<1000x1xf32> to vector<1000x128xf32>
    %sub3A_25 = arith.subf %sub3A_23, %sub3A_24 : vector<1000x128xf32>
    %swap3A = arith.constant 0 : index
    %swap3A_26 = arith.constant 0 : index
    %swap3A_27 = vector.load %arg4[%swap3A, %swap3A_26] : memref<1000x128xf32, #tpu.memory_space<vmem>>, vector<1000x128xf32>
    tpu.vector_store %arg4[%swap3A, %swap3A_26], %sub3A_25 {strides = array<i32>} : memref<1000x128xf32, #tpu.memory_space<vmem>>, vector<1000x128xf32>,
    return
  }
  func.func @transform_0(%arg0: i32) -> (i32, i32, i32) {
    %c0_i32 = arith.constant 0 : i32
    %c0_i32_0 = arith.constant 0 : i32
    %c0_i32_1 = arith.constant 0 : i32
    return %c0_i32, %arg0, %c0_i32_0 : i32, i32, i32
  }
  func.func @transform_1(%arg0: i32) -> (i32, i32) {
    %c0_i32 = arith.constant 0 : i32
    %c0_i32_0 = arith.constant 0 : i32
    return %arg0, %c0_i32 : i32, i32
  }
  func.func @transform_2(%arg0: i32) -> (i32, i32) {
    %c0_i32 = arith.constant 0 : i32
    %c0_i32_0 = arith.constant 0 : i32
    %c0_i32_1 = arith.constant 0 : i32
    return %c0_i32, %c0_i32_0 : i32, i32
  }
  func.func @transform_3(%arg0: i32) -> (i32, i32) {
    %c0_i32 = arith.constant 0 : i32
    %c0_i32_0 = arith.constant 0 : i32
    return %arg0, %c0_i32 : i32, i32
  }
}

</mosaic_0001>

<sc_bundles>
// kernel: kernel.11.cloned.1.call-start
scs
__scs_entry_jumppad:
0x0: {  	(pc) =	sbr.rel $0x88, $3  }
0x1: {  	(tag) =	ssettag $0x0;
	lr =	simm.s32 $0x1  }
0x2: {  	[smem:$0x3F9B] =	sst lr;
	_ =	strace $0xD0000000  }
0x3: {  	_ = 	snop  }
0x4: {  	_ = 	snop  }
0x5: {  	_ = 	snop  }
0x6: {  	_ = 	snop  }
0x7: {  	_ = 	snop  }
__scs_overlays_trampoline_lowered:
0x8: {  	[smem:$0x3FAA] =	sst s0  }
0x9: {  	[smem:$0x3FAB] =	sst s1  }
0xa: {  	[smem:$0x3FAC] =	sst s2  }
0xb: {  	[smem:$0x3FAD] =	sst s3  }
0xc: {  	[smem:$0x3FAE] =	sst s4  }
0xd: {  	[smem:$0x3FAF] =	sst s5  }
0xe: {  	[smem:$0x3FB0] =	sst s6  }
0xf: {  	[smem:$0x3FB1] =	sst s7  }
0x10: {  	[smem:$0x3FB2] =	sst s8  }
0x11: {  	[smem:$0x3FB3] =	sst s9;
	s0 =	simm.s32 @!p0 $0x0  }
0x12: {  	s1 =	sld [smem:$0x3F99];
	s0 =	simm.s32 @p0 $0x1  }
0x13: {  	[smem:$0x3FB4] =	sst s0;
	s0 =	simm.s32 @!p1 $0x0  }
0x14: {  	s2 =	sld [smem:$0x3F98];
	s0 =	simm.s32 @p1 $0x1  }
0x15: {  	[smem:$0x3FB5] =	sst s0;
	s0 =	simm.s32 @!p2 $0x0  }
0x16: {  	s3 =	sld [smem:$0x3FDB];
	s0 =	simm.s32 @p2 $0x1  }
0x17: {  	s4 =	simm.s32 $0x1BF5;
	[smem:$0x3FB7] =	sst s0  }
0x18: {  	s0 =	sld [smem:$0x3F9A];
	_ =	swait.ge [sflag:s4], $0x0  }
0x19: {  	s7 =	sld [smem:$0x3F9B]  }
0x1a: {  	s8 =	sadd.s32 $0xFFFFE003, lr  }
0x1b: {  	s9 =	sadd.s32 $0xFFFFFEF7, lr;
	s5 =	simm.s32 $0xFFFFFFFF;
	p2 =	slt.u32 s8, $0xFFFFF086  }
0x1c: {  	p1 =	slt.u32 s9, $0xF7A;
	s5 =	simm.s32 @!p2 $0x0  }
0x1d: {  	s5 =	simm.s32 @p1 $0x1;
	p0 =	seq.s32 s7, s2  }
0x1e: {  	s7 =	smul.u32 @!p0 $0xF7A, s2;
	p2 =	seq.s32 @!p0 s5, $0x0  }
0x1f: {  	s9 =	smul.u32 $0xF7A, s1;
	s8 =	simm.s32 @!p0 $0x1BF5;
	p2 =	por !p2, p0  }
0x20: {  	[sflag:s8] =	ssyncset.s32 @!p0 $0xFFFFF086;
	s6 =	sadd.s32 @!p0 s3, s7;
	s7 =	simm.s32 @!p0 $0x108  }
0x21: {  	s3 =	sadd.s32 s3, s9;
	s6 =	sadd.s32 @!p0 $0x88, s6;
	s7 =	simm.s32 @p2 $0x1082  }
0x22: {  	[simem:s7], [sflag:s8] =	dma.local @!p0 [hbm:s6], $0xF7A  }
0x23: {  	s9 =	sor.u32 $0xD0000000, s2;
	s6 =	simm.s32 $0x108;
	_ =	swait.ge @!p0 [sflag:s8], $0x0  }
0x24: {  	s3 =	sadd.s32 $0x88, s3;
	s6 =	simm.s32 @!p1 $0x1082;
	[sflag:s4] =	ssyncset.s32 $0xFFFFF086  }
0x25: {  	[simem:s6], [sflag:s4] =	dma.local [hbm:s3], $0xF7A  }
0x26: {  	[smem:$0x3F9B] =	sst s1;
	(tag) =	ssettag s2;
	_ =	strace s9  }
0x27: {  	s1 =	sld [smem:$0x3FAB]  }
0x28: {  	s2 =	sld [smem:$0x3FAC]  }
0x29: {  	s4 =	sld [smem:$0x3FAE]  }
0x2a: {  	p0 =	seq.s32 s5, $0x0;
	s5 =	sld [smem:$0x3FAF]  }
0x2b: {  	s6 =	sld [smem:$0x3FB0]  }
0x2c: {  	s7 =	sld [smem:$0x3FB1]  }
0x2d: {  	s3 =	simm.s32 $0x108;
	s8 =	sld [smem:$0x3FB2]  }
0x2e: {  	s3 =	simm.s32 @!p0 $0x1082;
	s9 =	sld [smem:$0x3FB3]  }
0x2f: {  	lr =	sadd.s32 s0, s3;
	s0 =	sld [smem:$0x3FAA]  }
0x30: {  	s3 =	sld [smem:$0x3FAD]  }
0x31: {  	[smem:$0x3FB6] =	sst s10  }
0x32: {  	s10 =	sld [smem:$0x3FB4];
	_ =	sdelay $0x3  }
0x33: {  	p0 =	seq.s32 s10, $0x1;
	s10 =	sld [smem:$0x3FB6];
	_ =	sdelay $0x3  }
0x34: {  	[smem:$0x3FB6] =	sst s10  }
0x35: {  	s10 =	sld [smem:$0x3FB5];
	_ =	sdelay $0x3  }
0x36: {  	p1 =	seq.s32 s10, $0x1;
	s10 =	sld [smem:$0x3FB6];
	_ =	sdelay $0x3  }
0x37: {  	[smem:$0x3FB6] =	sst s10  }
0x38: {  	s10 =	sld [smem:$0x3FB7]  }
0x39: {  	_ = 	snop;
	(pc) =	sbr.ind lr, $3  }
0x3a: {  	_ = 	snop  }
0x3b: {  	_ = 	snop  }
0x3c: {  	p2 =	seq.s32 s10, $0x1;
	s10 =	sld [smem:$0x3FB6]  }
0x3d: {  	_ =	shalt  }
0x3e: {  	_ =	shalt  }
0x3f: {  	_ =	shalt  }
0x40: {  	_ =	shalt  }
0x41: {  	_ =	shalt  }
0x42: {  	_ =	shalt  }
0x43: {  	_ =	shalt  }
0x44: {  	_ =	shalt  }
0x45: {  	_ =	shalt  }
0x46: {  	_ =	shalt  }
0x47: {  	_ =	shalt  }
0x48: {  	_ =	shalt  }
0x49: {  	_ =	shalt  }
0x4a: {  	_ =	shalt  }
0x4b: {  	_ =	shalt  }
0x4c: {  	_ =	shalt  }
0x4d: {  	_ =	shalt  }
0x4e: {  	_ =	shalt  }
0x4f: {  	_ =	shalt  }
0x50: {  	_ =	shalt  }
0x51: {  	_ =	shalt  }
0x52: {  	_ =	shalt  }
0x53: {  	_ =	shalt  }
0x54: {  	_ =	shalt  }
0x55: {  	_ =	shalt  }
0x56: {  	_ =	shalt  }
0x57: {  	_ =	shalt  }
0x58: {  	_ =	shalt  }
0x59: {  	_ =	shalt  }
0x5a: {  	_ =	shalt  }
0x5b: {  	_ =	shalt  }
0x5c: {  	_ =	shalt  }
0x5d: {  	_ =	shalt  }
0x5e: {  	_ =	shalt  }
0x5f: {  	_ =	shalt  }
0x60: {  	_ =	shalt  }
0x61: {  	_ =	shalt  }
0x62: {  	_ =	shalt  }
0x63: {  	_ =	shalt  }
0x64: {  	_ =	shalt  }
0x65: {  	_ =	shalt  }
0x66: {  	_ =	shalt  }
0x67: {  	_ =	shalt  }
0x68: {  	_ =	shalt  }
0x69: {  	_ =	shalt  }
0x6a: {  	_ =	shalt  }
0x6b: {  	_ =	shalt  }
0x6c: {  	_ =	shalt  }
0x6d: {  	_ =	shalt  }
0x6e: {  	_ =	shalt  }
0x6f: {  	_ =	shalt  }
0x70: {  	_ =	shalt  }
0x71: {  	_ =	shalt  }
0x72: {  	_ =	shalt  }
0x73: {  	_ =	shalt  }
0x74: {  	_ =	shalt  }
0x75: {  	_ =	shalt  }
0x76: {  	_ =	shalt  }
0x77: {  	_ =	shalt  }
0x78: {  	_ =	shalt  }
0x79: {  	_ =	shalt  }
0x7a: {  	_ =	shalt  }
0x7b: {  	_ =	shalt  }
0x7c: {  	_ =	shalt  }
0x7d: {  	_ =	shalt  }
0x7e: {  	_ =	shalt  }
0x7f: {  	_ =	shalt  }
0x80: {  	_ =	shalt  }
0x81: {  	_ =	shalt  }
0x82: {  	_ =	shalt  }
0x83: {  	_ =	shalt  }
0x84: {  	_ =	shalt  }
0x85: {  	_ =	shalt  }
0x86: {  	_ =	shalt  }
0x87: {  	_ =	shalt  }
.Lfunc_end0:
.L_simem_size_0:
called_computation.1_lowered:
.L_overlay_start_0:
0x88: {  	s2 =	sld [smem:$0x3FD9]  }
0x89: {  	s3 =	sld [smem:$0x3FFE];
	_ =	sdelay $0x1  }
0x8a: {  	s1 =	srdreg.scid  }
0x8b: {  	s0 =	sand.u32 $0x1, s1  }
0x8c: {  	s17 =	sshll.u32 s0, $0xA;
	s2 =	sadd.s32 s3, s2  }
0x8d: {  	s2 =	sadd.s32 s2, s17  }
0x8e: {  	[smem:$0x3FC2] =	sst s2  }
0x8f: {  	_ = 	snop  }
0x90: {  	s2 =	sld [smem:$0x3FD0];
	(tm) =	ssettm $0x1  }
0x91: {  	s18 =	sld [smem:$0x3FFB];
	_ =	sdelay $0x3  }
0x92: {  	_ =	strace s18  }
0x93: {  	s3 =	sld [smem:$0x3FFC];
	_ =	sdelay $0x3  }
0x94: {  	_ =	strace s3  }
0x95: {  	s3 =	sld [smem:$0x3FFD];
	_ =	sdelay $0x3  }
0x96: {  	_ =	strace s3  }
0x97: {  	_ =	strace $0x8FFFFFFF  }
0x98: {  	s19 =	sld [smem:$0x3FDB];
	_ =	sdelay $0x1  }
0x99: {  	s4 =	simm.s32 $_scs_section_size  }
0x9a: {  	s5 =	simm.s32 $_size__tile_overlayer_lowered;
	s6 =	simm.s32 $_tile_overlayer_lowered  }
0x9b: {  	s22 =	simm.s32 $0x1BFF;
	s21 =	sshll.u32 s6, $0x1;
	s3 =	sadd.s32 s4, s19  }
0x9c: {  	s7 =	simm.s32 $0x0;
	s20 =	sshll.u32 s5, $0x1;
	s5 =	sadd.s32 s21, s3  }
0x9d: {  	[timem:s7], [sflag:s22] =	dma.local [hbm:s5], s20  }
0x9e: {  	_ =	swait.ge [sflag:s22], s20  }
0x9f: {  	s4 =	ssub.s32 $0x0, s20;
	[sflag:s22] =	ssyncset.done $0x0  }
0xa0: {  	[sflag:s22] =	ssyncadd.s32 s4;
	_ =	sdelay $0x1  }
0xa1: {  	s23 =	simm.s32 $0x1B8B  }
0xa2: {  	_ =	swait.ge [sflag:s23], $0x1  }
0xa3: {  	[sflag:s23] =	ssyncset.done $0x0  }
0xa4: {  	s25 =	simm.s32 $0x1B8E;
	s24 =	sld [smem:$0x3FFE];
	[sflag:s23] =	ssyncadd.s32 $0xFFFFFFFF  }
0xa5: {  	s26 =	simm.s32 $execute0_lowered;
	[smem:$0x3FD2] =	sst s25  }
0xa6: {  	s5 =	sshll.u32 s26, $0x1;
	_ =	strace $0x80000049;
	[dreg:$0x1] =	wrdreg $0xFFFFFFFF  }
0xa7: {  	s28 =	simm.s32 $_size_execute0_lowered;
	s3 =	sadd.s32 s3, s5;
	[dreg:$0x0] =	wrdreg $0x0  }
0xa8: {  	s5 =	sshll.u32 s28, $0x1;
	[dreg:$0x2] =	wrdreg s3  }
0xa9: {  	[dreg:$0x3] =	wrdreg s5  }
0xaa: {  	[dreg:$0x4] =	wrdreg $0xC0  }
0xab: {  	_ =	task [dreg:s7], $0x5FFFF  }
0xac: {  	[dreg:$0x1] =	wrdreg $0xFFFFFFFF  }
0xad: {  	[dreg:$0x0] =	wrdreg $0x60  }
0xae: {  	[dreg:$0x2] =	wrdreg s24  }
0xaf: {  	[dreg:$0x3] =	wrdreg s2  }
0xb0: {  	[dreg:$0x4] =	wrdreg $0x21200  }
0xb1: {  	[dreg:$0x5] =	wrdreg $0x9  }
0xb2: {  	_ =	task.clear_ibuf [dreg:s7], $0x6FFFF;
	_ =	strace $0x90000049  }
0xb3: {  	s29 =	simm.s32 $0x9;
	_ =	strace $0x8000004B  }
0xb4: {  	_ =	swait.ge [sflag:s29], $0x1  }
0xb5: {  	[sflag:s29] =	ssyncadd.s32 $0xFFFFFFFF  }
0xb6: {  	_ =	strace $0x9000004B  }
0xb7: {  	_ =	sfence  }
0xb8: {  	s30 =	sld [smem:$0x0];
	_ =	sdelay $0x2  }
0xb9: {  	s31 =	sshll.u32 s1, $0xD;
	s1 =	sshrl.u32 s1, $0x2  }
0xba: {  	s3 =	sand.u32 $0x4000, s31;
	s1 =	sadd.s32 s1, s30  }
0xbb: {  	s0 =	sor.u32 s3, s0;
	s1 =	sshll.u32 s1, $0x11  }
0xbc: {  	s0 =	sor.u32 s1, s0  }
0xbd: {  	s0 =	sadd.s32 $0x8F2B, s0  }
0xbe: {  	[sflag:s0] =	ssyncadd.remote.s32 $0x1  }
0xbf: {  	_ =	sfence.sel $0xFFFF  }
0xc0: {  	[dreg:$0x0] =	wrdreg $0xFFFFFFFF;
	(pc) =	sbr.abs _section_cstart, $3  }
0xc1: {  	[dreg:$0x1] =	wrdreg $0xFFFFFFFF  }
0xc2: {  	_ =	task.clear_ibuf [dreg:s7], $0x2FFFF;
	_ =	strace $0x9FFFFFFF  }
0xc3: {  	(tm) =	ssettm $0x7FFFFFFF  }
tec
execute0_lowered:
.L_overlay_start_1:
0x0: {  	(tag) =	ssettag $0x1  }
0x1: {  	s5 =	rddreg [dreg:$0x0]  }
0x2: {  	s16 =	rddreg [dreg:$0x1]  }
0x3: {  	s1 =	rddreg [dreg:$0x2];
	s3 =	simm.s32 $0x0;
	s6 =	srdreg.scid  }
0x4: {  	s0 =	stileid.u32;
	s28 =	simm.s32 $0x0;
	[smem:$0x7FF] =	sst s3  }
0x5: {  	s4 =	sadd.s32 $0x15600, s5;
	s13 =	sand.u32 $0x1, s6;
	s23 =	smul.u32 $0x278, s0  }
0x6: {  	s19 =	sadd.s32 $0x1A00, s5;
	s18 =	sadd.s32 $0xB800, s5;
	s8 =	sshll.u32 s0, $0x1  }
0x7: {  	s26 =	smul.u32 $0x4E20, s0;
	_ =	strace $0x8000004A;
	s24 =	ssub.s32 $0x2, s13  }
0x8: {  	s25 =	sor.u32 s13, s8;
	s21 =	smul.u32 $0x9C400, s13;
	s7 =	sshrl.u32 s24, $0x1  }
0x9: {  	s6 =	smin.u32 s23, $0x2498;
	s10 =	smul.u32 $0x2710, s25;
	s25 =	simm.s32 $0x110  }
0xa: {  	s17 =	ssub.s32 s24, s7;
	s9 =	sshll.u32 s6, $0x6;
	s24 =	smul.u32 $0x2710, s13  }
0xb: {  	s5 =	sadd.s32 s9, s1;
	s14 =	sadd.s32 $0x2000, s9;
	s15 =	sadd.s32 $0x4000, s9  }
0xc: {  	s20 =	sadd.s32 $0x6000, s9;
	s22 =	sadd.s32 $0x8000, s9;
	s10 =	sshrl.u32 s10, $0x3  }
0xd: {  	s11 =	sadd.s32 s21, s9;
	s17 =	smax.u32 s17, $0x1;
	s6 =	sadd.s32 s14, s1  }
0xe: {  	s7 =	sadd.s32 s15, s1;
	s8 =	sadd.s32 s20, s1;
	s9 =	sadd.s32 s22, s1  }
0xf: {  	s12 =	sadd.s32 $0x4E0, s10;
	s23 =	sshrl.u32 s11, $0x3;
	s14 =	sadd.s32 s21, s14  }
0x10: {  	s15 =	sadd.s32 s21, s15;
	s29 =	sadd.s32 s21, s20;
	s30 =	sadd.s32 s21, s22  }
0x11: {  	s31 =	sadd.s32 s24, s26;
	s22 =	simm.s32 $0x80;
	s24 =	simm.s32 $0x100  }
0x12: {  	s26 =	simm.s32 $0x10;
	s10 =	sadd.s32 s19, s12;
	s11 =	sadd.s32 s18, s12  }
0x13: {  	s12 =	sadd.s32 s16, s23;
	s14 =	sshrl.u32 s14, $0x3;
	s15 =	sshrl.u32 s15, $0x3  }
0x14: {  	s20 =	sshrl.u32 s30, $0x3;
	s21 =	sshrl.u32 s31, $0x3;
	s23 =	simm.s32 $0x1  }
0x15: {  	s13 =	sadd.s32 s16, s14;
	s14 =	sadd.s32 s16, s15;
	s15 =	sshrl.u32 s29, $0x3  }
0x16: {  	s18 =	sadd.s32 s21, s18;
	s19 =	sadd.s32 s21, s19;
	s21 =	simm.s32 $0x2  }
0x17: {  	v0 =	vimm.f32 $0.0e+00;
	s15 =	sadd.s32 s16, s15;
	s16 =	sadd.s32 s16, s20;
	s20 =	simm.s32 $0x120  }
.LBB2_1:
0x18: {  	s30 =	simm.s32 $0x100;
	s29 =	simm.s32 $0x0  }
.LBB2_2:
0x19: {  	p0 =	sne.s32 s30, $0x7F00;
	[tilespmem:s29+$0x150] =	vst v0;
	s31 =	smov.u32 s30;
	s30 =	sadd.s32 $0x100, s30  }
.Ltmp0:
0x1a: {  	[tilespmem:s29+$0x140] =	vst v0;
	(pc) =	sbr.rel @p0 .LBB2_2-.Ltmp0, $3  }
0x1b: {  	[tilespmem:s29+$0x120] =	vst v0  }
0x1c: {  	[tilespmem:s29+$0x130] =	vst v0;
	_ =	sdelay $0x1  }
0x1d: {  	s29 =	sshra.s32 s31, $0x2  }
0x1e: {  	[tilespmem:s29+$0x150] =	vst v0  }
0x1f: {  	[tilespmem:s29+$0x140] =	vst v0  }
0x20: {  	[tilespmem:s29+$0x120] =	vst v0  }
0x21: {  	[tilespmem:s29+$0x130] =	vst v0  }
0x22: {  	[spmem:s5] =	stream.linear.scatter [tilespmem:s20], [sflag:$0x2], $0x2000, $0x38;
	[tilespmem:$0xBD60] =	vst v63  }
0x23: {  	_ =	swait.ge [sflag:s21], $0x2000  }
0x24: {  	[sflag:s21] =	ssyncset.done $0x0  }
0x25: {  	[sflag:s21] =	ssyncadd.s32 $0xFFFFE000  }
0x26: {  	[spmem:s6] =	stream.linear.scatter [tilespmem:s20], [sflag:$0x2], $0x2000, $0x38;
	[tilespmem:$0xBD60] =	vst v63  }
0x27: {  	_ =	swait.ge [sflag:s21], $0x2000  }
0x28: {  	[sflag:s21] =	ssyncset.done $0x0  }
0x29: {  	[sflag:s21] =	ssyncadd.s32 $0xFFFFE000  }
0x2a: {  	[spmem:s7] =	stream.linear.scatter [tilespmem:s20], [sflag:$0x2], $0x2000, $0x38;
	[tilespmem:$0xBD60] =	vst v63  }
0x2b: {  	_ =	swait.ge [sflag:s21], $0x2000  }
0x2c: {  	[sflag:s21] =	ssyncset.done $0x0  }
0x2d: {  	[sflag:s21] =	ssyncadd.s32 $0xFFFFE000  }
0x2e: {  	[spmem:s8] =	stream.linear.scatter [tilespmem:s20], [sflag:$0x2], $0x2000, $0x38;
	[tilespmem:$0xBD60] =	vst v63  }
0x2f: {  	_ =	swait.ge [sflag:s21], $0x2000  }
0x30: {  	[sflag:s21] =	ssyncset.done $0x0  }
0x31: {  	[sflag:s21] =	ssyncadd.s32 $0xFFFFE000  }
0x32: {  	[spmem:s9] =	stream.linear.scatter [tilespmem:s20], [sflag:$0x2], $0x1E00, $0x38;
	[tilespmem:$0xBD60] =	vst v63  }
0x33: {  	_ =	swait.ge [sflag:s21], $0x1E00  }
0x34: {  	[sflag:s21] =	ssyncset.done $0x0  }
0x35: {  	[sflag:s21] =	ssyncadd.s32 $0xFFFFE200  }
0x36: {  	s29 =	sadd.s32 $0x0, s19;
	[bflag:$0x0] =	sbarrier.arrive $0xFFFF  }
0x37: {  	[tilespmem:s3], [sflag:$0x2] =	stream.linear.gather [hbm4b:s29+s3], $0x80, $0x38;
	[tilespmem:$0xBD60] =	vst v63  }
0x38: {  	_ =	swait.ge [sflag:s21], $0x80  }
0x39: {  	[sflag:s21] =	ssyncset.done $0x0  }
0x3a: {  	s29 =	sadd.s32 $0x0, s18;
	[sflag:s21] =	ssyncadd.s32 $0xFFFFFF80  }
0x3b: {  	[tilespmem:s22], [sflag:$0x2] =	stream.linear.gather [hbm4b:s29+s3], $0x80, $0x38;
	[tilespmem:$0xBD60] =	vst v63  }
0x3c: {  	_ =	swait.ge [sflag:s21], $0x80  }
0x3d: {  	[sflag:s21] =	ssyncset.done $0x0  }
0x3e: {  	[sflag:s21] =	ssyncadd.s32 $0xFFFFFF80  }
0x3f: {  	[tilespmem:s20], [sflag:$0x1] =	stream.indirect.gather [hbm4b:s4+s22], $0x40, s3, s22, $0xb8;
	[tilespmem:$0xBD60] =	vst v63  }
0x40: {  	_ =	swait.ge [sflag:s23], $0x2000  }
0x41: {  	[sflag:s23] =	ssyncset.done $0x0  }
0x42: {  	[sflag:s23] =	ssyncadd.s32 $0xFFFFE000  }
0x43: {  	[spmem:s1] =	stream.indirect.scatter.add.f32 [tilespmem:s20], [sflag:$0x2], $0x40, s22, s22, $0xb8;
	[tilespmem:$0xBD60] =	vst v63  }
0x44: {  	_ =	swait.ge [sflag:s21], $0x2000  }
0x45: {  	s30 =	simm.s32 $0x20;
	s29 =	simm.s32 $0x10;
	[sflag:s21] =	ssyncset.done $0x0  }
.LBB2_4:
0x46: {  	s31 =	sadd.s32 s29, s19  }
0x47: {  	[sflag:s21] =	ssyncadd.s32 $0xFFFFE000;
	s0 =	smov.u32 s30;
	s2 =	sadd.s32 $0x10, s30  }
0x48: {  	[tilespmem:s3], [sflag:$0x2] =	stream.linear.gather [hbm4b:s31+s3], $0x80, $0x38;
	[tilespmem:$0xBD60] =	vst v63  }
0x49: {  	p0 =	sne.s32 s30, $0x4D0;
	_ =	swait.ge [sflag:s21], $0x80  }
0x4a: {  	[sflag:s21] =	ssyncset.done $0x0  }
0x4b: {  	s30 =	sadd.s32 s29, s18;
	s29 =	smov.u32 s0;
	[sflag:s21] =	ssyncadd.s32 $0xFFFFFF80  }
0x4c: {  	[tilespmem:s22], [sflag:$0x2] =	stream.linear.gather [hbm4b:s30+s3], $0x80, $0x38;
	[tilespmem:$0xBD60] =	vst v63  }
0x4d: {  	_ =	swait.ge [sflag:s21], $0x80  }
0x4e: {  	[sflag:s21] =	ssyncset.done $0x0  }
0x4f: {  	[sflag:s21] =	ssyncadd.s32 $0xFFFFFF80  }
0x50: {  	[tilespmem:s20], [sflag:$0x1] =	stream.indirect.gather [hbm4b:s4+s22], $0x40, s3, s22, $0xb8;
	[tilespmem:$0xBD60] =	vst v63  }
0x51: {  	_ =	swait.ge [sflag:s23], $0x2000  }
.Ltmp1:
0x52: {  	[sflag:s23] =	ssyncset.done $0x0;
	(pc) =	sbr.rel @p0 .LBB2_4-.Ltmp1, $4  }
0x53: {  	[sflag:s23] =	ssyncadd.s32 $0xFFFFE000  }
0x54: {  	[spmem:s1] =	stream.indirect.scatter.add.f32 [tilespmem:s20], [sflag:$0x2], $0x40, s22, s22, $0xb8;
	[tilespmem:$0xBD60] =	vst v63  }
0x55: {  	_ =	swait.ge [sflag:s21], $0x2000  }
0x56: {  	s30 =	smov.u32 s2;
	[sflag:s21] =	ssyncset.done $0x0  }
0x57: {  	s0 =	sadd.s32 s29, s19;
	[sflag:s21] =	ssyncadd.s32 $0xFFFFE000  }
0x58: {  	[tilespmem:s3], [sflag:$0x2] =	stream.linear.gather [hbm4b:s0+s3], $0x80, $0x38;
	[tilespmem:$0xBD60] =	vst v63  }
0x59: {  	_ =	swait.ge [sflag:s21], $0x80  }
0x5a: {  	[sflag:s21] =	ssyncset.done $0x0  }
0x5b: {  	s29 =	sadd.s32 s29, s18;
	[sflag:s21] =	ssyncadd.s32 $0xFFFFFF80  }
0x5c: {  	[tilespmem:s22], [sflag:$0x2] =	stream.linear.gather [hbm4b:s29+s3], $0x80, $0x38;
	[tilespmem:$0xBD60] =	vst v63  }
0x5d: {  	_ =	swait.ge [sflag:s21], $0x80  }
0x5e: {  	[sflag:s21] =	ssyncset.done $0x0  }
0x5f: {  	[sflag:s21] =	ssyncadd.s32 $0xFFFFFF80  }
0x60: {  	[tilespmem:s20], [sflag:$0x1] =	stream.indirect.gather [hbm4b:s4+s22], $0x40, s3, s22, $0xb8;
	[tilespmem:$0xBD60] =	vst v63  }
0x61: {  	_ =	swait.ge [sflag:s23], $0x2000  }
0x62: {  	[sflag:s23] =	ssyncset.done $0x0  }
0x63: {  	[sflag:s23] =	ssyncadd.s32 $0xFFFFE000  }
0x64: {  	[spmem:s1] =	stream.indirect.scatter.add.f32 [tilespmem:s20], [sflag:$0x2], $0x40, s22, s22, $0xb8;
	[tilespmem:$0xBD60] =	vst v63  }
0x65: {  	_ =	swait.ge [sflag:s21], $0x2000  }
0x66: {  	[sflag:s21] =	ssyncset.done $0x0  }
0x67: {  	[sflag:s21] =	ssyncadd.s32 $0xFFFFE000  }
0x68: {  	[tilespmem:s24], [sflag:$0x2] =	stream.linear.gather [hbm4b:s10+s3], $0x10, $0x38;
	[tilespmem:$0xBD60] =	vst v63  }
0x69: {  	_ =	swait.ge [sflag:s21], $0x10  }
0x6a: {  	[sflag:s21] =	ssyncset.done $0x0  }
0x6b: {  	[sflag:s21] =	ssyncadd.s32 $0xFFFFFFF0  }
0x6c: {  	[tilespmem:s25], [sflag:$0x2] =	stream.linear.gather [hbm4b:s11+s3], $0x10, $0x38;
	[tilespmem:$0xBD60] =	vst v63  }
0x6d: {  	_ =	swait.ge [sflag:s21], $0x10  }
0x6e: {  	[sflag:s21] =	ssyncset.done $0x0  }
0x6f: {  	[sflag:s21] =	ssyncadd.s32 $0xFFFFFFF0  }
0x70: {  	[tilespmem:s20], [sflag:$0x1] =	stream.indirect.gather [hbm4b:s4+s26], $0x40, s24, s26, $0xb8;
	[tilespmem:$0xBD60] =	vst v63  }
0x71: {  	_ =	swait.ge [sflag:s23], $0x400  }
0x72: {  	[sflag:s23] =	ssyncset.done $0x0  }
0x73: {  	[sflag:s23] =	ssyncadd.s32 $0xFFFFFC00  }
0x74: {  	[spmem:s1] =	stream.indirect.scatter.add.f32 [tilespmem:s20], [sflag:$0x2], $0x40, s25, s26, $0xb8;
	[tilespmem:$0xBD60] =	vst v63  }
0x75: {  	_ =	swait.ge [sflag:s21], $0x400  }
0x76: {  	s30 =	stileid.u32;
	[sflag:s21] =	ssyncset.done $0x0  }
0x77: {  	s0 =	sshll.u32 s30, $0x6;
	[sflag:s21] =	ssyncadd.s32 $0xFFFFFC00  }
0x78: {  	s2 =	sshrl.u32 s5, $0x3;
	s0 =	sor.u32 $0x1C02, s0;
	[bflag:$0x0] =	sbarrier.arrive $0xFFFF  }
0x79: {  	[hbm:s12], [sflag:s0] =	dma.local [spmem:s2], $0x400  }
0x7a: {  	_ =	swait.ge [sflag:s21], $0x400  }
0x7b: {  	[sflag:s21] =	ssyncset.done $0x0  }
0x7c: {  	s31 =	sshrl.u32 s6, $0x3;
	[sflag:s21] =	ssyncadd.s32 $0xFFFFFC00  }
0x7d: {  	[hbm:s13], [sflag:s0] =	dma.local [spmem:s31], $0x400  }
0x7e: {  	_ =	swait.ge [sflag:s21], $0x400  }
0x7f: {  	[sflag:s21] =	ssyncset.done $0x0  }
0x80: {  	s29 =	sshrl.u32 s7, $0x3;
	[sflag:s21] =	ssyncadd.s32 $0xFFFFFC00  }
0x81: {  	[hbm:s14], [sflag:s0] =	dma.local [spmem:s29], $0x400  }
0x82: {  	_ =	swait.ge [sflag:s21], $0x400  }
0x83: {  	[sflag:s21] =	ssyncset.done $0x0  }
0x84: {  	s30 =	sshrl.u32 s8, $0x3;
	[sflag:s21] =	ssyncadd.s32 $0xFFFFFC00  }
0x85: {  	[hbm:s15], [sflag:s0] =	dma.local [spmem:s30], $0x400  }
0x86: {  	s28 =	sadd.s32 $0x1, s28;
	_ =	swait.ge [sflag:s21], $0x400  }
0x87: {  	p0 =	sne.s32 s28, s17;
	[sflag:s21] =	ssyncset.done $0x0  }
.Ltmp2:
0x88: {  	s31 =	sshrl.u32 s9, $0x3;
	[sflag:s21] =	ssyncadd.s32 $0xFFFFFC00;
	(pc) =	sbr.rel @p0 .LBB2_1-.Ltmp2, $4  }
0x89: {  	[hbm:s16], [sflag:s0] =	dma.local [spmem:s31], $0x3C0  }
0x8a: {  	_ =	swait.ge [sflag:s21], $0x3C0  }
0x8b: {  	[sflag:s21] =	ssyncset.done $0x0  }
0x8c: {  	[sflag:s21] =	ssyncadd.s32 $0xFFFFFC40  }
0x8d: {  	_ =	sfence.sel $0x180000  }
0x8e: {  	[bflag:$0x0] =	sbarrier.arrive $0xFFFF  }
0x8f: {  	_ =	strace $0x9000004A  }
0x90: {  	s0 =	stileid.u32;
	[bflag:$0x2] =	sbarrier.arrive $0xFFFF  }
0x91: {  	p0 =	sne.s32 s0, $0x0;
	s0 =	rddreg [dreg:$0x3]  }
0x92: {  	s0 =	sadd.s32 @!p0 $0x100000, s0  }
0x93: {  	[sflag:s0] =	ssyncadd.tile.s32 @!p0 $0x1;
	_ =	shalt  }
.Lfunc_end2:
_tile_overlayer_lowered:
.L_overlay_start_2:
0x94: {  	(tag) =	ssettag $0x2  }
0x95: {  	s0 =	rddreg [dreg:$0x0];
	s2 =	stileid.u32  }
0x96: {  	s1 =	rddreg [dreg:$0x1];
	p0 =	sne.s32 s2, $0x0  }
0x97: {  	s3 =	rddreg [dreg:$0x2];
	[bflag:$0x3] =	sbarrier.arrive $0xFFFF;
	s2 =	simm.s32 @!p0 $0x1C02  }
0x98: {  	[timem:s3], [sflag:s2] =	dma.local @!p0 [hbm:s0], s1  }
0x99: {  	s0 =	simm.s32 @!p0 $0x2  }
0x9a: {  	_ =	swait.ge @!p0 [sflag:s0], s1  }
0x9b: {  	s1 =	ssub.s32 @!p0 $0x0, s1;
	[sflag:s0] =	ssyncset.done @!p0 $0x0  }
0x9c: {  	[sflag:s0] =	ssyncadd.s32 @!p0 s1  }
0x9d: {  	[bflag:$0x3] =	sbarrier.arrive $0xFFFF  }
0x9e: {  	_ =	shalt  }

// kernel: kernel.14.cloned.1.call-start
scs
__scs_entry_jumppad:
0x0: {  	(pc) =	sbr.rel $0x88, $3  }
0x1: {  	(tag) =	ssettag $0x0;
	lr =	simm.s32 $0x1  }
0x2: {  	[smem:$0x3F9B] =	sst lr;
	_ =	strace $0xD0000000  }
0x3: {  	_ = 	snop  }
0x4: {  	_ = 	snop  }
0x5: {  	_ = 	snop  }
0x6: {  	_ = 	snop  }
0x7: {  	_ = 	snop  }
__scs_overlays_trampoline_lowered:
0x8: {  	[smem:$0x3FAA] =	sst s0  }
0x9: {  	[smem:$0x3FAB] =	sst s1  }
0xa: {  	[smem:$0x3FAC] =	sst s2  }
0xb: {  	[smem:$0x3FAD] =	sst s3  }
0xc: {  	[smem:$0x3FAE] =	sst s4  }
0xd: {  	[smem:$0x3FAF] =	sst s5  }
0xe: {  	[smem:$0x3FB0] =	sst s6  }
0xf: {  	[smem:$0x3FB1] =	sst s7  }
0x10: {  	[smem:$0x3FB2] =	sst s8  }
0x11: {  	[smem:$0x3FB3] =	sst s9;
	s0 =	simm.s32 @!p0 $0x0  }
0x12: {  	s1 =	sld [smem:$0x3F99];
	s0 =	simm.s32 @p0 $0x1  }
0x13: {  	[smem:$0x3FB4] =	sst s0;
	s0 =	simm.s32 @!p1 $0x0  }
0x14: {  	s2 =	sld [smem:$0x3F98];
	s0 =	simm.s32 @p1 $0x1  }
0x15: {  	[smem:$0x3FB5] =	sst s0;
	s0 =	simm.s32 @!p2 $0x0  }
0x16: {  	s3 =	sld [smem:$0x3FDB];
	s0 =	simm.s32 @p2 $0x1  }
0x17: {  	s4 =	simm.s32 $0x1BF5;
	[smem:$0x3FB7] =	sst s0  }
0x18: {  	s0 =	sld [smem:$0x3F9A];
	_ =	swait.ge [sflag:s4], $0x0  }
0x19: {  	s7 =	sld [smem:$0x3F9B]  }
0x1a: {  	s8 =	sadd.s32 $0xFFFFE003, lr  }
0x1b: {  	s9 =	sadd.s32 $0xFFFFFEF7, lr;
	s5 =	simm.s32 $0xFFFFFFFF;
	p2 =	slt.u32 s8, $0xFFFFF086  }
0x1c: {  	p1 =	slt.u32 s9, $0xF7A;
	s5 =	simm.s32 @!p2 $0x0  }
0x1d: {  	s5 =	simm.s32 @p1 $0x1;
	p0 =	seq.s32 s7, s2  }
0x1e: {  	s7 =	smul.u32 @!p0 $0xF7A, s2;
	p2 =	seq.s32 @!p0 s5, $0x0  }
0x1f: {  	s9 =	smul.u32 $0xF7A, s1;
	s8 =	simm.s32 @!p0 $0x1BF5;
	p2 =	por !p2, p0  }
0x20: {  	[sflag:s8] =	ssyncset.s32 @!p0 $0xFFFFF086;
	s6 =	sadd.s32 @!p0 s3, s7;
	s7 =	simm.s32 @!p0 $0x108  }
0x21: {  	s3 =	sadd.s32 s3, s9;
	s6 =	sadd.s32 @!p0 $0x88, s6;
	s7 =	simm.s32 @p2 $0x1082  }
0x22: {  	[simem:s7], [sflag:s8] =	dma.local @!p0 [hbm:s6], $0xF7A  }
0x23: {  	s9 =	sor.u32 $0xD0000000, s2;
	s6 =	simm.s32 $0x108;
	_ =	swait.ge @!p0 [sflag:s8], $0x0  }
0x24: {  	s3 =	sadd.s32 $0x88, s3;
	s6 =	simm.s32 @!p1 $0x1082;
	[sflag:s4] =	ssyncset.s32 $0xFFFFF086  }
0x25: {  	[simem:s6], [sflag:s4] =	dma.local [hbm:s3], $0xF7A  }
0x26: {  	[smem:$0x3F9B] =	sst s1;
	(tag) =	ssettag s2;
	_ =	strace s9  }
0x27: {  	s1 =	sld [smem:$0x3FAB]  }
0x28: {  	s2 =	sld [smem:$0x3FAC]  }
0x29: {  	s4 =	sld [smem:$0x3FAE]  }
0x2a: {  	p0 =	seq.s32 s5, $0x0;
	s5 =	sld [smem:$0x3FAF]  }
0x2b: {  	s6 =	sld [smem:$0x3FB0]  }
0x2c: {  	s7 =	sld [smem:$0x3FB1]  }
0x2d: {  	s3 =	simm.s32 $0x108;
	s8 =	sld [smem:$0x3FB2]  }
0x2e: {  	s3 =	simm.s32 @!p0 $0x1082;
	s9 =	sld [smem:$0x3FB3]  }
0x2f: {  	lr =	sadd.s32 s0, s3;
	s0 =	sld [smem:$0x3FAA]  }
0x30: {  	s3 =	sld [smem:$0x3FAD]  }
0x31: {  	[smem:$0x3FB6] =	sst s10  }
0x32: {  	s10 =	sld [smem:$0x3FB4];
	_ =	sdelay $0x3  }
0x33: {  	p0 =	seq.s32 s10, $0x1;
	s10 =	sld [smem:$0x3FB6];
	_ =	sdelay $0x3  }
0x34: {  	[smem:$0x3FB6] =	sst s10  }
0x35: {  	s10 =	sld [smem:$0x3FB5];
	_ =	sdelay $0x3  }
0x36: {  	p1 =	seq.s32 s10, $0x1;
	s10 =	sld [smem:$0x3FB6];
	_ =	sdelay $0x3  }
0x37: {  	[smem:$0x3FB6] =	sst s10  }
0x38: {  	s10 =	sld [smem:$0x3FB7]  }
0x39: {  	_ = 	snop;
	(pc) =	sbr.ind lr, $3  }
0x3a: {  	_ = 	snop  }
0x3b: {  	_ = 	snop  }
0x3c: {  	p2 =	seq.s32 s10, $0x1;
	s10 =	sld [smem:$0x3FB6]  }
0x3d: {  	_ =	shalt  }
0x3e: {  	_ =	shalt  }
0x3f: {  	_ =	shalt  }
0x40: {  	_ =	shalt  }
0x41: {  	_ =	shalt  }
0x42: {  	_ =	shalt  }
0x43: {  	_ =	shalt  }
0x44: {  	_ =	shalt  }
0x45: {  	_ =	shalt  }
0x46: {  	_ =	shalt  }
0x47: {  	_ =	shalt  }
0x48: {  	_ =	shalt  }
0x49: {  	_ =	shalt  }
0x4a: {  	_ =	shalt  }
0x4b: {  	_ =	shalt  }
0x4c: {  	_ =	shalt  }
0x4d: {  	_ =	shalt  }
0x4e: {  	_ =	shalt  }
0x4f: {  	_ =	shalt  }
0x50: {  	_ =	shalt  }
0x51: {  	_ =	shalt  }
0x52: {  	_ =	shalt  }
0x53: {  	_ =	shalt  }
0x54: {  	_ =	shalt  }
0x55: {  	_ =	shalt  }
0x56: {  	_ =	shalt  }
0x57: {  	_ =	shalt  }
0x58: {  	_ =	shalt  }
0x59: {  	_ =	shalt  }
0x5a: {  	_ =	shalt  }
0x5b: {  	_ =	shalt  }
0x5c: {  	_ =	shalt  }
0x5d: {  	_ =	shalt  }
0x5e: {  	_ =	shalt  }
0x5f: {  	_ =	shalt  }
0x60: {  	_ =	shalt  }
0x61: {  	_ =	shalt  }
0x62: {  	_ =	shalt  }
0x63: {  	_ =	shalt  }
0x64: {  	_ =	shalt  }
0x65: {  	_ =	shalt  }
0x66: {  	_ =	shalt  }
0x67: {  	_ =	shalt  }
0x68: {  	_ =	shalt  }
0x69: {  	_ =	shalt  }
0x6a: {  	_ =	shalt  }
0x6b: {  	_ =	shalt  }
0x6c: {  	_ =	shalt  }
0x6d: {  	_ =	shalt  }
0x6e: {  	_ =	shalt  }
0x6f: {  	_ =	shalt  }
0x70: {  	_ =	shalt  }
0x71: {  	_ =	shalt  }
0x72: {  	_ =	shalt  }
0x73: {  	_ =	shalt  }
0x74: {  	_ =	shalt  }
0x75: {  	_ =	shalt  }
0x76: {  	_ =	shalt  }
0x77: {  	_ =	shalt  }
0x78: {  	_ =	shalt  }
0x79: {  	_ =	shalt  }
0x7a: {  	_ =	shalt  }
0x7b: {  	_ =	shalt  }
0x7c: {  	_ =	shalt  }
0x7d: {  	_ =	shalt  }
0x7e: {  	_ =	shalt  }
0x7f: {  	_ =	shalt  }
0x80: {  	_ =	shalt  }
0x81: {  	_ =	shalt  }
0x82: {  	_ =	shalt  }
0x83: {  	_ =	shalt  }
0x84: {  	_ =	shalt  }
0x85: {  	_ =	shalt  }
0x86: {  	_ =	shalt  }
0x87: {  	_ =	shalt  }
.Lfunc_end0:
.L_simem_size_0:
called_computation.2_lowered:
.L_overlay_start_0:
0x88: {  	s2 =	sld [smem:$0x3FD9]  }
0x89: {  	s3 =	sld [smem:$0x3FFE];
	_ =	sdelay $0x1  }
0x8a: {  	s1 =	srdreg.scid  }
0x8b: {  	s0 =	sand.u32 $0x1, s1  }
0x8c: {  	s17 =	sshll.u32 s0, $0xA;
	s2 =	sadd.s32 s3, s2  }
0x8d: {  	s2 =	sadd.s32 s2, s17  }
0x8e: {  	[smem:$0x3FC2] =	sst s2  }
0x8f: {  	_ = 	snop  }
0x90: {  	s2 =	sld [smem:$0x3FD0];
	(tm) =	ssettm $0x1  }
0x91: {  	s18 =	sld [smem:$0x3FFB];
	_ =	sdelay $0x3  }
0x92: {  	_ =	strace s18  }
0x93: {  	s3 =	sld [smem:$0x3FFC];
	_ =	sdelay $0x3  }
0x94: {  	_ =	strace s3  }
0x95: {  	s3 =	sld [smem:$0x3FFD];
	_ =	sdelay $0x3  }
0x96: {  	_ =	strace s3  }
0x97: {  	_ =	strace $0x8FFFFFFF  }
0x98: {  	s19 =	sld [smem:$0x3FDB];
	_ =	sdelay $0x1  }
0x99: {  	s4 =	simm.s32 $_scs_section_size  }
0x9a: {  	s5 =	simm.s32 $_size__tile_overlayer_lowered;
	s6 =	simm.s32 $_tile_overlayer_lowered  }
0x9b: {  	s22 =	simm.s32 $0x1BFF;
	s21 =	sshll.u32 s6, $0x1;
	s3 =	sadd.s32 s4, s19  }
0x9c: {  	s7 =	simm.s32 $0x0;
	s20 =	sshll.u32 s5, $0x1;
	s5 =	sadd.s32 s21, s3  }
0x9d: {  	[timem:s7], [sflag:s22] =	dma.local [hbm:s5], s20  }
0x9e: {  	_ =	swait.ge [sflag:s22], s20  }
0x9f: {  	s4 =	ssub.s32 $0x0, s20;
	[sflag:s22] =	ssyncset.done $0x0  }
0xa0: {  	[sflag:s22] =	ssyncadd.s32 s4;
	_ =	sdelay $0x1  }
0xa1: {  	s23 =	simm.s32 $0x1B8B  }
0xa2: {  	_ =	swait.ge [sflag:s23], $0x1  }
0xa3: {  	[sflag:s23] =	ssyncset.done $0x0  }
0xa4: {  	s25 =	simm.s32 $0x1B8E;
	s24 =	sld [smem:$0x3FFE];
	[sflag:s23] =	ssyncadd.s32 $0xFFFFFFFF  }
0xa5: {  	s26 =	simm.s32 $execute0_lowered;
	[smem:$0x3FD2] =	sst s25  }
0xa6: {  	s5 =	sshll.u32 s26, $0x1;
	_ =	strace $0x8000004C;
	[dreg:$0x1] =	wrdreg $0xFFFFFFFF  }
0xa7: {  	s28 =	simm.s32 $_size_execute0_lowered;
	s3 =	sadd.s32 s3, s5;
	[dreg:$0x0] =	wrdreg $0x0  }
0xa8: {  	s5 =	sshll.u32 s28, $0x1;
	[dreg:$0x2] =	wrdreg s3  }
0xa9: {  	[dreg:$0x3] =	wrdreg s5  }
0xaa: {  	[dreg:$0x4] =	wrdreg $0xC0  }
0xab: {  	_ =	task [dreg:s7], $0x5FFFF  }
0xac: {  	[dreg:$0x1] =	wrdreg $0xFFFFFFFF  }
0xad: {  	[dreg:$0x0] =	wrdreg $0x60  }
0xae: {  	[dreg:$0x2] =	wrdreg s2  }
0xaf: {  	[dreg:$0x3] =	wrdreg s24  }
0xb0: {  	[dreg:$0x4] =	wrdreg $0x41200  }
0xb1: {  	[dreg:$0x5] =	wrdreg $0x9  }
0xb2: {  	_ =	task.clear_ibuf [dreg:s7], $0x6FFFF;
	_ =	strace $0x9000004C  }
0xb3: {  	s29 =	simm.s32 $0x9;
	_ =	strace $0x8000004E  }
0xb4: {  	_ =	swait.ge [sflag:s29], $0x1  }
0xb5: {  	[sflag:s29] =	ssyncadd.s32 $0xFFFFFFFF  }
0xb6: {  	_ =	strace $0x9000004E  }
0xb7: {  	_ =	sfence  }
0xb8: {  	s30 =	sld [smem:$0x0];
	_ =	sdelay $0x2  }
0xb9: {  	s31 =	sshll.u32 s1, $0xD;
	s1 =	sshrl.u32 s1, $0x2  }
0xba: {  	s3 =	sand.u32 $0x4000, s31;
	s1 =	sadd.s32 s1, s30  }
0xbb: {  	s0 =	sor.u32 s3, s0;
	s1 =	sshll.u32 s1, $0x11  }
0xbc: {  	s0 =	sor.u32 s1, s0  }
0xbd: {  	s0 =	sadd.s32 $0x8F2B, s0  }
0xbe: {  	[sflag:s0] =	ssyncadd.remote.s32 $0x1  }
0xbf: {  	_ =	sfence.sel $0xFFFF  }
0xc0: {  	[dreg:$0x0] =	wrdreg $0xFFFFFFFF;
	(pc) =	sbr.abs _section_cstart, $3  }
0xc1: {  	[dreg:$0x1] =	wrdreg $0xFFFFFFFF  }
0xc2: {  	_ =	task.clear_ibuf [dreg:s7], $0x2FFFF;
	_ =	strace $0x9FFFFFFF  }
0xc3: {  	(tm) =	ssettm $0x7FFFFFFF  }
tec
execute0_lowered:
.L_overlay_start_1:
0x0: {  	(tag) =	ssettag $0x1  }
0x1: {  	s1 =	rddreg [dreg:$0x0]  }
0x2: {  	s5 =	rddreg [dreg:$0x1]  }
0x3: {  	s2 =	rddreg [dreg:$0x2];
	s4 =	simm.s32 $0x0;
	s6 =	srdreg.scid  }
0x4: {  	s0 =	stileid.u32;
	s28 =	simm.s32 $0x0;
	[smem:$0x7FF] =	sst s4  }
0x5: {  	s19 =	sadd.s32 $0x1A00, s5;
	s13 =	sand.u32 $0x1, s6;
	s23 =	smul.u32 $0x278, s0  }
0x6: {  	s18 =	sadd.s32 $0xB800, s5;
	s16 =	sadd.s32 $0x15600, s5;
	s8 =	sshll.u32 s0, $0x1  }
0x7: {  	s26 =	smul.u32 $0x4E20, s0;
	_ =	strace $0x8000004D;
	s24 =	ssub.s32 $0x2, s13  }
0x8: {  	s25 =	sor.u32 s13, s8;
	s21 =	smul.u32 $0x138800, s13;
	s7 =	sshrl.u32 s24, $0x1  }
0x9: {  	s6 =	smin.u32 s23, $0x2498;
	s10 =	smul.u32 $0x2710, s25;
	s25 =	simm.s32 $0x110  }
0xa: {  	s17 =	ssub.s32 s24, s7;
	s9 =	sshll.u32 s6, $0x7;
	s24 =	smul.u32 $0x2710, s13  }
0xb: {  	s5 =	sadd.s32 s9, s2;
	s14 =	sadd.s32 $0x4000, s9;
	s15 =	sadd.s32 $0x8000, s9  }
0xc: {  	s20 =	sadd.s32 $0xC000, s9;
	s22 =	sadd.s32 $0x10000, s9;
	s10 =	sshrl.u32 s10, $0x3  }
0xd: {  	s11 =	sadd.s32 s21, s9;
	s17 =	smax.u32 s17, $0x1;
	s6 =	sadd.s32 s14, s2  }
0xe: {  	s7 =	sadd.s32 s15, s2;
	s8 =	sadd.s32 s20, s2;
	s9 =	sadd.s32 s22, s2  }
0xf: {  	s12 =	sadd.s32 $0x4E0, s10;
	s23 =	sshrl.u32 s11, $0x3;
	s14 =	sadd.s32 s21, s14  }
0x10: {  	s15 =	sadd.s32 s21, s15;
	s29 =	sadd.s32 s21, s20;
	s30 =	sadd.s32 s21, s22  }
0x11: {  	s31 =	sadd.s32 s24, s26;
	s22 =	simm.s32 $0x80;
	s24 =	simm.s32 $0x100  }
0x12: {  	s26 =	simm.s32 $0x10;
	s10 =	sadd.s32 s19, s12;
	s11 =	sadd.s32 s18, s12  }
0x13: {  	s12 =	sadd.s32 s16, s23;
	s14 =	sshrl.u32 s14, $0x3;
	s15 =	sshrl.u32 s15, $0x3  }
0x14: {  	s20 =	sshrl.u32 s30, $0x3;
	s21 =	sshrl.u32 s31, $0x3;
	s23 =	simm.s32 $0x1  }
0x15: {  	s13 =	sadd.s32 s16, s14;
	s14 =	sadd.s32 s16, s15;
	s15 =	sshrl.u32 s29, $0x3  }
0x16: {  	s18 =	sadd.s32 s21, s18;
	s19 =	sadd.s32 s21, s19;
	s21 =	simm.s32 $0x2  }
0x17: {  	v0 =	vimm.f32 $0.0e+00;
	s15 =	sadd.s32 s16, s15;
	s16 =	sadd.s32 s16, s20;
	s20 =	simm.s32 $0x120  }
.LBB2_1:
0x18: {  	s29 =	simm.s32 $0x0;
	s30 =	simm.s32 $0x200  }
.LBB2_2:
0x19: {  	p0 =	sne.s32 s30, $0xFE00;
	[tilespmem:s29+$0x190] =	vst v0  }
0x1a: {  	[tilespmem:s29+$0x120] =	vst v0  }
0x1b: {  	[tilespmem:s29+$0x130] =	vst v0  }
.Ltmp0:
0x1c: {  	[tilespmem:s29+$0x140] =	vst v0;
	(pc) =	sbr.rel @p0 .LBB2_2-.Ltmp0, $4  }
0x1d: {  	[tilespmem:s29+$0x150] =	vst v0  }
0x1e: {  	[tilespmem:s29+$0x160] =	vst v0  }
0x1f: {  	[tilespmem:s29+$0x170] =	vst v0  }
0x20: {  	[tilespmem:s29+$0x180] =	vst v0;
	s29 =	sshra.s32 s30, $0x2;
	s30 =	sadd.s32 $0x200, s30  }
0x21: {  	[tilespmem:s29+$0x190] =	vst v0  }
0x22: {  	[tilespmem:s29+$0x120] =	vst v0  }
0x23: {  	[tilespmem:s29+$0x130] =	vst v0  }
0x24: {  	[tilespmem:s29+$0x140] =	vst v0  }
0x25: {  	[tilespmem:s29+$0x150] =	vst v0  }
0x26: {  	[tilespmem:s29+$0x160] =	vst v0  }
0x27: {  	[tilespmem:s29+$0x170] =	vst v0  }
0x28: {  	[tilespmem:s29+$0x180] =	vst v0  }
0x29: {  	[spmem:s5] =	stream.linear.scatter [tilespmem:s20], [sflag:$0x2], $0x4000, $0x38;
	[tilespmem:$0x179A0] =	vst v63  }
0x2a: {  	_ =	swait.ge [sflag:s21], $0x4000  }
0x2b: {  	[sflag:s21] =	ssyncset.done $0x0  }
0x2c: {  	[sflag:s21] =	ssyncadd.s32 $0xFFFFC000  }
0x2d: {  	[spmem:s6] =	stream.linear.scatter [tilespmem:s20], [sflag:$0x2], $0x4000, $0x38;
	[tilespmem:$0x179A0] =	vst v63  }
0x2e: {  	_ =	swait.ge [sflag:s21], $0x4000  }
0x2f: {  	[sflag:s21] =	ssyncset.done $0x0  }
0x30: {  	[sflag:s21] =	ssyncadd.s32 $0xFFFFC000  }
0x31: {  	[spmem:s7] =	stream.linear.scatter [tilespmem:s20], [sflag:$0x2], $0x4000, $0x38;
	[tilespmem:$0x179A0] =	vst v63  }
0x32: {  	_ =	swait.ge [sflag:s21], $0x4000  }
0x33: {  	[sflag:s21] =	ssyncset.done $0x0  }
0x34: {  	[sflag:s21] =	ssyncadd.s32 $0xFFFFC000  }
0x35: {  	[spmem:s8] =	stream.linear.scatter [tilespmem:s20], [sflag:$0x2], $0x4000, $0x38;
	[tilespmem:$0x179A0] =	vst v63  }
0x36: {  	_ =	swait.ge [sflag:s21], $0x4000  }
0x37: {  	[sflag:s21] =	ssyncset.done $0x0  }
0x38: {  	[sflag:s21] =	ssyncadd.s32 $0xFFFFC000  }
0x39: {  	[spmem:s9] =	stream.linear.scatter [tilespmem:s20], [sflag:$0x2], $0x3C00, $0x38;
	[tilespmem:$0x179A0] =	vst v63  }
0x3a: {  	_ =	swait.ge [sflag:s21], $0x3C00  }
0x3b: {  	[sflag:s21] =	ssyncset.done $0x0  }
0x3c: {  	[sflag:s21] =	ssyncadd.s32 $0xFFFFC400  }
0x3d: {  	s29 =	sadd.s32 $0x0, s19;
	[bflag:$0x0] =	sbarrier.arrive $0xFFFF  }
0x3e: {  	[tilespmem:s4], [sflag:$0x2] =	stream.linear.gather [hbm4b:s29+s4], $0x80, $0x38;
	[tilespmem:$0x179A0] =	vst v63  }
0x3f: {  	_ =	swait.ge [sflag:s21], $0x80  }
0x40: {  	[sflag:s21] =	ssyncset.done $0x0  }
0x41: {  	s29 =	sadd.s32 $0x0, s18;
	[sflag:s21] =	ssyncadd.s32 $0xFFFFFF80  }
0x42: {  	[tilespmem:s22], [sflag:$0x2] =	stream.linear.gather [hbm4b:s29+s4], $0x80, $0x38;
	[tilespmem:$0x179A0] =	vst v63  }
0x43: {  	_ =	swait.ge [sflag:s21], $0x80  }
0x44: {  	[sflag:s21] =	ssyncset.done $0x0  }
0x45: {  	[sflag:s21] =	ssyncadd.s32 $0xFFFFFF80  }
0x46: {  	[tilespmem:s20], [sflag:$0x1] =	stream.indirect.gather [hbm4b:s1+s22], $0x80, s4, s22, $0xb8;
	[tilespmem:$0x179A0] =	vst v63  }
0x47: {  	_ =	swait.ge [sflag:s23], $0x4000  }
0x48: {  	[sflag:s23] =	ssyncset.done $0x0  }
0x49: {  	[sflag:s23] =	ssyncadd.s32 $0xFFFFC000  }
0x4a: {  	[spmem:s2] =	stream.indirect.scatter.add.f32 [tilespmem:s20], [sflag:$0x2], $0x80, s22, s22, $0xb8;
	[tilespmem:$0x179A0] =	vst v63  }
0x4b: {  	_ =	swait.ge [sflag:s21], $0x4000  }
0x4c: {  	s30 =	simm.s32 $0x20;
	s29 =	simm.s32 $0x10;
	[sflag:s21] =	ssyncset.done $0x0  }
.LBB2_4:
0x4d: {  	s31 =	sadd.s32 s29, s19  }
0x4e: {  	[sflag:s21] =	ssyncadd.s32 $0xFFFFC000;
	s0 =	smov.u32 s30;
	s3 =	sadd.s32 $0x10, s30  }
0x4f: {  	[tilespmem:s4], [sflag:$0x2] =	stream.linear.gather [hbm4b:s31+s4], $0x80, $0x38;
	[tilespmem:$0x179A0] =	vst v63  }
0x50: {  	p0 =	sne.s32 s30, $0x4D0;
	_ =	swait.ge [sflag:s21], $0x80  }
0x51: {  	[sflag:s21] =	ssyncset.done $0x0  }
0x52: {  	s30 =	sadd.s32 s29, s18;
	s29 =	smov.u32 s0;
	[sflag:s21] =	ssyncadd.s32 $0xFFFFFF80  }
0x53: {  	[tilespmem:s22], [sflag:$0x2] =	stream.linear.gather [hbm4b:s30+s4], $0x80, $0x38;
	[tilespmem:$0x179A0] =	vst v63  }
0x54: {  	_ =	swait.ge [sflag:s21], $0x80  }
0x55: {  	[sflag:s21] =	ssyncset.done $0x0  }
0x56: {  	[sflag:s21] =	ssyncadd.s32 $0xFFFFFF80  }
0x57: {  	[tilespmem:s20], [sflag:$0x1] =	stream.indirect.gather [hbm4b:s1+s22], $0x80, s4, s22, $0xb8;
	[tilespmem:$0x179A0] =	vst v63  }
0x58: {  	_ =	swait.ge [sflag:s23], $0x4000  }
.Ltmp1:
0x59: {  	[sflag:s23] =	ssyncset.done $0x0;
	(pc) =	sbr.rel @p0 .LBB2_4-.Ltmp1, $4  }
0x5a: {  	[sflag:s23] =	ssyncadd.s32 $0xFFFFC000  }
0x5b: {  	[spmem:s2] =	stream.indirect.scatter.add.f32 [tilespmem:s20], [sflag:$0x2], $0x80, s22, s22, $0xb8;
	[tilespmem:$0x179A0] =	vst v63  }
0x5c: {  	_ =	swait.ge [sflag:s21], $0x4000  }
0x5d: {  	s30 =	smov.u32 s3;
	[sflag:s21] =	ssyncset.done $0x0  }
0x5e: {  	s0 =	sadd.s32 s29, s19;
	[sflag:s21] =	ssyncadd.s32 $0xFFFFC000  }
0x5f: {  	[tilespmem:s4], [sflag:$0x2] =	stream.linear.gather [hbm4b:s0+s4], $0x80, $0x38;
	[tilespmem:$0x179A0] =	vst v63  }
0x60: {  	_ =	swait.ge [sflag:s21], $0x80  }
0x61: {  	[sflag:s21] =	ssyncset.done $0x0  }
0x62: {  	s29 =	sadd.s32 s29, s18;
	[sflag:s21] =	ssyncadd.s32 $0xFFFFFF80  }
0x63: {  	[tilespmem:s22], [sflag:$0x2] =	stream.linear.gather [hbm4b:s29+s4], $0x80, $0x38;
	[tilespmem:$0x179A0] =	vst v63  }
0x64: {  	_ =	swait.ge [sflag:s21], $0x80  }
0x65: {  	[sflag:s21] =	ssyncset.done $0x0  }
0x66: {  	[sflag:s21] =	ssyncadd.s32 $0xFFFFFF80  }
0x67: {  	[tilespmem:s20], [sflag:$0x1] =	stream.indirect.gather [hbm4b:s1+s22], $0x80, s4, s22, $0xb8;
	[tilespmem:$0x179A0] =	vst v63  }
0x68: {  	_ =	swait.ge [sflag:s23], $0x4000  }
0x69: {  	[sflag:s23] =	ssyncset.done $0x0  }
0x6a: {  	[sflag:s23] =	ssyncadd.s32 $0xFFFFC000  }
0x6b: {  	[spmem:s2] =	stream.indirect.scatter.add.f32 [tilespmem:s20], [sflag:$0x2], $0x80, s22, s22, $0xb8;
	[tilespmem:$0x179A0] =	vst v63  }
0x6c: {  	_ =	swait.ge [sflag:s21], $0x4000  }
0x6d: {  	[sflag:s21] =	ssyncset.done $0x0  }
0x6e: {  	[sflag:s21] =	ssyncadd.s32 $0xFFFFC000  }
0x6f: {  	[tilespmem:s24], [sflag:$0x2] =	stream.linear.gather [hbm4b:s10+s4], $0x10, $0x38;
	[tilespmem:$0x179A0] =	vst v63  }
0x70: {  	_ =	swait.ge [sflag:s21], $0x10  }
0x71: {  	[sflag:s21] =	ssyncset.done $0x0  }
0x72: {  	[sflag:s21] =	ssyncadd.s32 $0xFFFFFFF0  }
0x73: {  	[tilespmem:s25], [sflag:$0x2] =	stream.linear.gather [hbm4b:s11+s4], $0x10, $0x38;
	[tilespmem:$0x179A0] =	vst v63  }
0x74: {  	_ =	swait.ge [sflag:s21], $0x10  }
0x75: {  	[sflag:s21] =	ssyncset.done $0x0  }
0x76: {  	[sflag:s21] =	ssyncadd.s32 $0xFFFFFFF0  }
0x77: {  	[tilespmem:s20], [sflag:$0x1] =	stream.indirect.gather [hbm4b:s1+s26], $0x80, s24, s26, $0xb8;
	[tilespmem:$0x179A0] =	vst v63  }
0x78: {  	_ =	swait.ge [sflag:s23], $0x800  }
0x79: {  	[sflag:s23] =	ssyncset.done $0x0  }
0x7a: {  	[sflag:s23] =	ssyncadd.s32 $0xFFFFF800  }
0x7b: {  	[spmem:s2] =	stream.indirect.scatter.add.f32 [tilespmem:s20], [sflag:$0x2], $0x80, s25, s26, $0xb8;
	[tilespmem:$0x179A0] =	vst v63  }
0x7c: {  	_ =	swait.ge [sflag:s21], $0x800  }
0x7d: {  	s30 =	stileid.u32;
	[sflag:s21] =	ssyncset.done $0x0  }
0x7e: {  	s0 =	sshll.u32 s30, $0x6;
	[sflag:s21] =	ssyncadd.s32 $0xFFFFF800  }
0x7f: {  	s3 =	sshrl.u32 s5, $0x3;
	s0 =	sor.u32 $0x1C02, s0;
	[bflag:$0x0] =	sbarrier.arrive $0xFFFF  }
0x80: {  	[hbm:s12], [sflag:s0] =	dma.local [spmem:s3], $0x800  }
0x81: {  	_ =	swait.ge [sflag:s21], $0x800  }
0x82: {  	[sflag:s21] =	ssyncset.done $0x0  }
0x83: {  	s31 =	sshrl.u32 s6, $0x3;
	[sflag:s21] =	ssyncadd.s32 $0xFFFFF800  }
0x84: {  	[hbm:s13], [sflag:s0] =	dma.local [spmem:s31], $0x800  }
0x85: {  	_ =	swait.ge [sflag:s21], $0x800  }
0x86: {  	[sflag:s21] =	ssyncset.done $0x0  }
0x87: {  	s29 =	sshrl.u32 s7, $0x3;
	[sflag:s21] =	ssyncadd.s32 $0xFFFFF800  }
0x88: {  	[hbm:s14], [sflag:s0] =	dma.local [spmem:s29], $0x800  }
0x89: {  	_ =	swait.ge [sflag:s21], $0x800  }
0x8a: {  	[sflag:s21] =	ssyncset.done $0x0  }
0x8b: {  	s30 =	sshrl.u32 s8, $0x3;
	[sflag:s21] =	ssyncadd.s32 $0xFFFFF800  }
0x8c: {  	[hbm:s15], [sflag:s0] =	dma.local [spmem:s30], $0x800  }
0x8d: {  	s28 =	sadd.s32 $0x1, s28;
	_ =	swait.ge [sflag:s21], $0x800  }
0x8e: {  	p0 =	sne.s32 s28, s17;
	[sflag:s21] =	ssyncset.done $0x0  }
.Ltmp2:
0x8f: {  	s31 =	sshrl.u32 s9, $0x3;
	[sflag:s21] =	ssyncadd.s32 $0xFFFFF800;
	(pc) =	sbr.rel @p0 .LBB2_1-.Ltmp2, $4  }
0x90: {  	[hbm:s16], [sflag:s0] =	dma.local [spmem:s31], $0x780  }
0x91: {  	_ =	swait.ge [sflag:s21], $0x780  }
0x92: {  	[sflag:s21] =	ssyncset.done $0x0  }
0x93: {  	[sflag:s21] =	ssyncadd.s32 $0xFFFFF880  }
0x94: {  	_ =	sfence.sel $0x180000  }
0x95: {  	[bflag:$0x0] =	sbarrier.arrive $0xFFFF  }
0x96: {  	_ =	strace $0x9000004D  }
0x97: {  	s0 =	stileid.u32;
	[bflag:$0x2] =	sbarrier.arrive $0xFFFF  }
0x98: {  	p0 =	sne.s32 s0, $0x0;
	s0 =	rddreg [dreg:$0x3]  }
0x99: {  	s0 =	sadd.s32 @!p0 $0x100000, s0  }
0x9a: {  	[sflag:s0] =	ssyncadd.tile.s32 @!p0 $0x1;
	_ =	shalt  }
.Lfunc_end2:
_tile_overlayer_lowered:
.L_overlay_start_2:
0x9b: {  	(tag) =	ssettag $0x2  }
0x9c: {  	s0 =	rddreg [dreg:$0x0];
	s2 =	stileid.u32  }
0x9d: {  	s1 =	rddreg [dreg:$0x1];
	p0 =	sne.s32 s2, $0x0  }
0x9e: {  	s3 =	rddreg [dreg:$0x2];
	[bflag:$0x3] =	sbarrier.arrive $0xFFFF;
	s2 =	simm.s32 @!p0 $0x1C02  }
0x9f: {  	[timem:s3], [sflag:s2] =	dma.local @!p0 [hbm:s0], s1  }
0xa0: {  	s0 =	simm.s32 @!p0 $0x2  }
0xa1: {  	_ =	swait.ge @!p0 [sflag:s0], s1  }
0xa2: {  	s1 =	ssub.s32 @!p0 $0x0, s1;
	[sflag:s0] =	ssyncset.done @!p0 $0x0  }
0xa3: {  	[sflag:s0] =	ssyncadd.s32 @!p0 s1  }
0xa4: {  	[bflag:$0x3] =	sbarrier.arrive $0xFFFF  }
0xa5: {  	_ =	shalt  }

// kernel: kernel.8.cloned.1.call-start
scs
__scs_entry_jumppad:
0x0: {  	(pc) =	sbr.rel $0x88, $3  }
0x1: {  	(tag) =	ssettag $0x0;
	lr =	simm.s32 $0x1  }
0x2: {  	[smem:$0x3F9B] =	sst lr;
	_ =	strace $0xD0000000  }
0x3: {  	_ = 	snop  }
0x4: {  	_ = 	snop  }
0x5: {  	_ = 	snop  }
0x6: {  	_ = 	snop  }
0x7: {  	_ = 	snop  }
__scs_overlays_trampoline_lowered:
0x8: {  	[smem:$0x3FAA] =	sst s0  }
0x9: {  	[smem:$0x3FAB] =	sst s1  }
0xa: {  	[smem:$0x3FAC] =	sst s2  }
0xb: {  	[smem:$0x3FAD] =	sst s3  }
0xc: {  	[smem:$0x3FAE] =	sst s4  }
0xd: {  	[smem:$0x3FAF] =	sst s5  }
0xe: {  	[smem:$0x3FB0] =	sst s6  }
0xf: {  	[smem:$0x3FB1] =	sst s7  }
0x10: {  	[smem:$0x3FB2] =	sst s8  }
0x11: {  	[smem:$0x3FB3] =	sst s9;
	s0 =	simm.s32 @!p0 $0x0  }
0x12: {  	s1 =	sld [smem:$0x3F99];
	s0 =	simm.s32 @p0 $0x1  }
0x13: {  	[smem:$0x3FB4] =	sst s0;
	s0 =	simm.s32 @!p1 $0x0  }
0x14: {  	s2 =	sld [smem:$0x3F98];
	s0 =	simm.s32 @p1 $0x1  }
0x15: {  	[smem:$0x3FB5] =	sst s0;
	s0 =	simm.s32 @!p2 $0x0  }
0x16: {  	s3 =	sld [smem:$0x3FDB];
	s0 =	simm.s32 @p2 $0x1  }
0x17: {  	s4 =	simm.s32 $0x1BF5;
	[smem:$0x3FB7] =	sst s0  }
0x18: {  	s0 =	sld [smem:$0x3F9A];
	_ =	swait.ge [sflag:s4], $0x0  }
0x19: {  	s7 =	sld [smem:$0x3F9B]  }
0x1a: {  	s8 =	sadd.s32 $0xFFFFE003, lr  }
0x1b: {  	s9 =	sadd.s32 $0xFFFFFEF7, lr;
	s5 =	simm.s32 $0xFFFFFFFF;
	p2 =	slt.u32 s8, $0xFFFFF086  }
0x1c: {  	p1 =	slt.u32 s9, $0xF7A;
	s5 =	simm.s32 @!p2 $0x0  }
0x1d: {  	s5 =	simm.s32 @p1 $0x1;
	p0 =	seq.s32 s7, s2  }
0x1e: {  	s7 =	smul.u32 @!p0 $0xF7A, s2;
	p2 =	seq.s32 @!p0 s5, $0x0  }
0x1f: {  	s9 =	smul.u32 $0xF7A, s1;
	s8 =	simm.s32 @!p0 $0x1BF5;
	p2 =	por !p2, p0  }
0x20: {  	[sflag:s8] =	ssyncset.s32 @!p0 $0xFFFFF086;
	s6 =	sadd.s32 @!p0 s3, s7;
	s7 =	simm.s32 @!p0 $0x108  }
0x21: {  	s3 =	sadd.s32 s3, s9;
	s6 =	sadd.s32 @!p0 $0x88, s6;
	s7 =	simm.s32 @p2 $0x1082  }
0x22: {  	[simem:s7], [sflag:s8] =	dma.local @!p0 [hbm:s6], $0xF7A  }
0x23: {  	s9 =	sor.u32 $0xD0000000, s2;
	s6 =	simm.s32 $0x108;
	_ =	swait.ge @!p0 [sflag:s8], $0x0  }
0x24: {  	s3 =	sadd.s32 $0x88, s3;
	s6 =	simm.s32 @!p1 $0x1082;
	[sflag:s4] =	ssyncset.s32 $0xFFFFF086  }
0x25: {  	[simem:s6], [sflag:s4] =	dma.local [hbm:s3], $0xF7A  }
0x26: {  	[smem:$0x3F9B] =	sst s1;
	(tag) =	ssettag s2;
	_ =	strace s9  }
0x27: {  	s1 =	sld [smem:$0x3FAB]  }
0x28: {  	s2 =	sld [smem:$0x3FAC]  }
0x29: {  	s4 =	sld [smem:$0x3FAE]  }
0x2a: {  	p0 =	seq.s32 s5, $0x0;
	s5 =	sld [smem:$0x3FAF]  }
0x2b: {  	s6 =	sld [smem:$0x3FB0]  }
0x2c: {  	s7 =	sld [smem:$0x3FB1]  }
0x2d: {  	s3 =	simm.s32 $0x108;
	s8 =	sld [smem:$0x3FB2]  }
0x2e: {  	s3 =	simm.s32 @!p0 $0x1082;
	s9 =	sld [smem:$0x3FB3]  }
0x2f: {  	lr =	sadd.s32 s0, s3;
	s0 =	sld [smem:$0x3FAA]  }
0x30: {  	s3 =	sld [smem:$0x3FAD]  }
0x31: {  	[smem:$0x3FB6] =	sst s10  }
0x32: {  	s10 =	sld [smem:$0x3FB4];
	_ =	sdelay $0x3  }
0x33: {  	p0 =	seq.s32 s10, $0x1;
	s10 =	sld [smem:$0x3FB6];
	_ =	sdelay $0x3  }
0x34: {  	[smem:$0x3FB6] =	sst s10  }
0x35: {  	s10 =	sld [smem:$0x3FB5];
	_ =	sdelay $0x3  }
0x36: {  	p1 =	seq.s32 s10, $0x1;
	s10 =	sld [smem:$0x3FB6];
	_ =	sdelay $0x3  }
0x37: {  	[smem:$0x3FB6] =	sst s10  }
0x38: {  	s10 =	sld [smem:$0x3FB7]  }
0x39: {  	_ = 	snop;
	(pc) =	sbr.ind lr, $3  }
0x3a: {  	_ = 	snop  }
0x3b: {  	_ = 	snop  }
0x3c: {  	p2 =	seq.s32 s10, $0x1;
	s10 =	sld [smem:$0x3FB6]  }
0x3d: {  	_ =	shalt  }
0x3e: {  	_ =	shalt  }
0x3f: {  	_ =	shalt  }
0x40: {  	_ =	shalt  }
0x41: {  	_ =	shalt  }
0x42: {  	_ =	shalt  }
0x43: {  	_ =	shalt  }
0x44: {  	_ =	shalt  }
0x45: {  	_ =	shalt  }
0x46: {  	_ =	shalt  }
0x47: {  	_ =	shalt  }
0x48: {  	_ =	shalt  }
0x49: {  	_ =	shalt  }
0x4a: {  	_ =	shalt  }
0x4b: {  	_ =	shalt  }
0x4c: {  	_ =	shalt  }
0x4d: {  	_ =	shalt  }
0x4e: {  	_ =	shalt  }
0x4f: {  	_ =	shalt  }
0x50: {  	_ =	shalt  }
0x51: {  	_ =	shalt  }
0x52: {  	_ =	shalt  }
0x53: {  	_ =	shalt  }
0x54: {  	_ =	shalt  }
0x55: {  	_ =	shalt  }
0x56: {  	_ =	shalt  }
0x57: {  	_ =	shalt  }
0x58: {  	_ =	shalt  }
0x59: {  	_ =	shalt  }
0x5a: {  	_ =	shalt  }
0x5b: {  	_ =	shalt  }
0x5c: {  	_ =	shalt  }
0x5d: {  	_ =	shalt  }
0x5e: {  	_ =	shalt  }
0x5f: {  	_ =	shalt  }
0x60: {  	_ =	shalt  }
0x61: {  	_ =	shalt  }
0x62: {  	_ =	shalt  }
0x63: {  	_ =	shalt  }
0x64: {  	_ =	shalt  }
0x65: {  	_ =	shalt  }
0x66: {  	_ =	shalt  }
0x67: {  	_ =	shalt  }
0x68: {  	_ =	shalt  }
0x69: {  	_ =	shalt  }
0x6a: {  	_ =	shalt  }
0x6b: {  	_ =	shalt  }
0x6c: {  	_ =	shalt  }
0x6d: {  	_ =	shalt  }
0x6e: {  	_ =	shalt  }
0x6f: {  	_ =	shalt  }
0x70: {  	_ =	shalt  }
0x71: {  	_ =	shalt  }
0x72: {  	_ =	shalt  }
0x73: {  	_ =	shalt  }
0x74: {  	_ =	shalt  }
0x75: {  	_ =	shalt  }
0x76: {  	_ =	shalt  }
0x77: {  	_ =	shalt  }
0x78: {  	_ =	shalt  }
0x79: {  	_ =	shalt  }
0x7a: {  	_ =	shalt  }
0x7b: {  	_ =	shalt  }
0x7c: {  	_ =	shalt  }
0x7d: {  	_ =	shalt  }
0x7e: {  	_ =	shalt  }
0x7f: {  	_ =	shalt  }
0x80: {  	_ =	shalt  }
0x81: {  	_ =	shalt  }
0x82: {  	_ =	shalt  }
0x83: {  	_ =	shalt  }
0x84: {  	_ =	shalt  }
0x85: {  	_ =	shalt  }
0x86: {  	_ =	shalt  }
0x87: {  	_ =	shalt  }
.Lfunc_end0:
.L_simem_size_0:
called_computation_lowered:
.L_overlay_start_0:
0x88: {  	s2 =	sld [smem:$0x3FD9]  }
0x89: {  	s3 =	sld [smem:$0x3FFE];
	_ =	sdelay $0x1  }
0x8a: {  	s1 =	srdreg.scid  }
0x8b: {  	s0 =	sand.u32 $0x1, s1  }
0x8c: {  	s17 =	sshll.u32 s0, $0xA;
	s2 =	sadd.s32 s3, s2  }
0x8d: {  	s2 =	sadd.s32 s2, s17  }
0x8e: {  	[smem:$0x3FC2] =	sst s2  }
0x8f: {  	_ = 	snop  }
0x90: {  	s2 =	sld [smem:$0x3FD0];
	(tm) =	ssettm $0x1  }
0x91: {  	s18 =	sld [smem:$0x3FFB];
	_ =	sdelay $0x3  }
0x92: {  	_ =	strace s18  }
0x93: {  	s3 =	sld [smem:$0x3FFC];
	_ =	sdelay $0x3  }
0x94: {  	_ =	strace s3  }
0x95: {  	s3 =	sld [smem:$0x3FFD];
	_ =	sdelay $0x3  }
0x96: {  	_ =	strace s3  }
0x97: {  	_ =	strace $0x8FFFFFFF  }
0x98: {  	s19 =	sld [smem:$0x3FDB];
	_ =	sdelay $0x1  }
0x99: {  	s4 =	simm.s32 $_scs_section_size  }
0x9a: {  	s5 =	simm.s32 $_size__tile_overlayer_lowered;
	s6 =	simm.s32 $_tile_overlayer_lowered  }
0x9b: {  	s22 =	simm.s32 $0x1BFF;
	s21 =	sshll.u32 s6, $0x1;
	s3 =	sadd.s32 s4, s19  }
0x9c: {  	s7 =	simm.s32 $0x0;
	s20 =	sshll.u32 s5, $0x1;
	s5 =	sadd.s32 s21, s3  }
0x9d: {  	[timem:s7], [sflag:s22] =	dma.local [hbm:s5], s20  }
0x9e: {  	_ =	swait.ge [sflag:s22], s20  }
0x9f: {  	s4 =	ssub.s32 $0x0, s20;
	[sflag:s22] =	ssyncset.done $0x0  }
0xa0: {  	[sflag:s22] =	ssyncadd.s32 s4;
	_ =	sdelay $0x1  }
0xa1: {  	s23 =	simm.s32 $0x1B8B  }
0xa2: {  	_ =	swait.ge [sflag:s23], $0x1  }
0xa3: {  	[sflag:s23] =	ssyncset.done $0x0  }
0xa4: {  	s25 =	simm.s32 $0x1B8E;
	s24 =	sld [smem:$0x3FFE];
	[sflag:s23] =	ssyncadd.s32 $0xFFFFFFFF  }
0xa5: {  	s26 =	simm.s32 $execute0_lowered;
	[smem:$0x3FD2] =	sst s25  }
0xa6: {  	s5 =	sshll.u32 s26, $0x1;
	_ =	strace $0x80000046;
	[dreg:$0x1] =	wrdreg $0xFFFFFFFF  }
0xa7: {  	s28 =	simm.s32 $_size_execute0_lowered;
	s3 =	sadd.s32 s3, s5;
	[dreg:$0x0] =	wrdreg $0x0  }
0xa8: {  	s5 =	sshll.u32 s28, $0x1;
	[dreg:$0x2] =	wrdreg s3  }
0xa9: {  	[dreg:$0x3] =	wrdreg s5  }
0xaa: {  	[dreg:$0x4] =	wrdreg $0xC0  }
0xab: {  	_ =	task [dreg:s7], $0x5FFFF  }
0xac: {  	[dreg:$0x1] =	wrdreg $0xFFFFFFFF  }
0xad: {  	[dreg:$0x0] =	wrdreg $0x60  }
0xae: {  	[dreg:$0x2] =	wrdreg s24  }
0xaf: {  	[dreg:$0x3] =	wrdreg s2  }
0xb0: {  	[dreg:$0x4] =	wrdreg $0x10900  }
0xb1: {  	[dreg:$0x5] =	wrdreg $0x9  }
0xb2: {  	_ =	task.clear_ibuf [dreg:s7], $0x6FFFF;
	_ =	strace $0x90000046  }
0xb3: {  	s29 =	simm.s32 $0x9;
	_ =	strace $0x80000048  }
0xb4: {  	_ =	swait.ge [sflag:s29], $0x1  }
0xb5: {  	[sflag:s29] =	ssyncadd.s32 $0xFFFFFFFF  }
0xb6: {  	_ =	strace $0x90000048  }
0xb7: {  	_ =	sfence  }
0xb8: {  	s30 =	sld [smem:$0x0];
	_ =	sdelay $0x2  }
0xb9: {  	s31 =	sshll.u32 s1, $0xD;
	s1 =	sshrl.u32 s1, $0x2  }
0xba: {  	s3 =	sand.u32 $0x4000, s31;
	s1 =	sadd.s32 s1, s30  }
0xbb: {  	s0 =	sor.u32 s3, s0;
	s1 =	sshll.u32 s1, $0x11  }
0xbc: {  	s0 =	sor.u32 s1, s0  }
0xbd: {  	s0 =	sadd.s32 $0x8F2B, s0  }
0xbe: {  	[sflag:s0] =	ssyncadd.remote.s32 $0x1  }
0xbf: {  	_ =	sfence.sel $0xFFFF  }
0xc0: {  	[dreg:$0x0] =	wrdreg $0xFFFFFFFF;
	(pc) =	sbr.abs _section_cstart, $3  }
0xc1: {  	[dreg:$0x1] =	wrdreg $0xFFFFFFFF  }
0xc2: {  	_ =	task.clear_ibuf [dreg:s7], $0x2FFFF;
	_ =	strace $0x9FFFFFFF  }
0xc3: {  	(tm) =	ssettm $0x7FFFFFFF  }
tec
execute0_lowered:
.L_overlay_start_1:
0x0: {  	(tag) =	ssettag $0x1  }
0x1: {  	s4 =	rddreg [dreg:$0x0]  }
0x2: {  	s14 =	rddreg [dreg:$0x1]  }
0x3: {  	s2 =	rddreg [dreg:$0x2]  }
0x4: {  	s0 =	rddreg [dreg:$0x3];
	s3 =	simm.s32 $0x0;
	s1 =	stileid.u32  }
0x5: {  	s5 =	srdreg.scid;
	s22 =	simm.s32 $0x0;
	[smem:$0x7FF] =	sst s3  }
0x6: {  	s6 =	smul.u32 $0x278, s1;
	s16 =	sadd.s32 $0xB800, s4;
	s11 =	sand.u32 $0x1, s5  }
0x7: {  	s29 =	sshll.u32 s1, $0x1;
	s20 =	smul.u32 $0x4E20, s1;
	_ =	strace $0x80000047  }
0x8: {  	s28 =	ssub.s32 $0x2, s11;
	s5 =	sor.u32 s11, s29;
	s17 =	smul.u32 $0x27100, s11  }
0x9: {  	s21 =	smul.u32 $0x2710, s11;
	s6 =	smin.u32 s6, $0x2498;
	s7 =	sshrl.u32 s28, $0x1  }
0xa: {  	s9 =	smul.u32 $0x2710, s5;
	s8 =	sshll.u32 s6, $0x4;
	s15 =	ssub.s32 s28, s7  }
0xb: {  	s31 =	sadd.s32 s21, s20;
	s20 =	simm.s32 $0x90;
	s21 =	simm.s32 $0x10  }
0xc: {  	s4 =	sadd.s32 s8, s2;
	s12 =	sadd.s32 $0x800, s8;
	s13 =	sadd.s32 $0x1000, s8  }
0xd: {  	s18 =	sadd.s32 $0x1800, s8;
	s9 =	sshrl.u32 s9, $0x3;
	s10 =	sadd.s32 s17, s8  }
0xe: {  	s19 =	sadd.s32 $0x2000, s8;
	s15 =	smax.u32 s15, $0x1;
	s5 =	sadd.s32 s12, s2  }
0xf: {  	s6 =	sadd.s32 s13, s2;
	s7 =	sadd.s32 s18, s2;
	s9 =	sadd.s32 s16, s9  }
0x10: {  	s10 =	sshrl.u32 s10, $0x3;
	s8 =	sadd.s32 s19, s2;
	s12 =	sadd.s32 s17, s12  }
0x11: {  	s13 =	sadd.s32 s17, s13;
	s30 =	sadd.s32 s17, s18;
	s17 =	sadd.s32 s17, s19  }
0x12: {  	s18 =	sshrl.u32 s31, $0x3;
	s19 =	simm.s32 $0x80;
	s9 =	sadd.s32 $0x4E0, s9  }
0x13: {  	s10 =	sadd.s32 s14, s10;
	s12 =	sshrl.u32 s12, $0x3;
	s13 =	sshrl.u32 s13, $0x3  }
0x14: {  	s17 =	sshrl.u32 s17, $0x3;
	s16 =	sadd.s32 s18, s16;
	s18 =	simm.s32 $0x1  }
0x15: {  	s11 =	sadd.s32 s14, s12;
	s12 =	sadd.s32 s14, s13;
	s13 =	sshrl.u32 s30, $0x3  }
0x16: {  	v0 =	vimm.f32 $1.000000000e+00;
	v1 =	vimm.f32 $0.0e+00;
	s13 =	sadd.s32 s14, s13;
	s14 =	sadd.s32 s14, s17;
	s17 =	simm.s32 $0x890  }
.LBB2_1:
0x17: {  	s23 =	simm.s32 $0x40;
	s24 =	simm.s32 $0x0  }
.LBB2_2:
0x18: {  	p0 =	sne.s32 s23, $0x1FC0;
	[tilespmem:s24+$0x90] =	vst v0;
	s25 =	smov.u32 s23;
	s23 =	sadd.s32 $0x40, s23  }
.Ltmp0:
0x19: {  	[tilespmem:s24+$0x890] =	vst v1;
	(pc) =	sbr.rel @p0 .LBB2_2-.Ltmp0, $2  }
0x1a: {  	_ =	sdelay $0x2  }
0x1b: {  	s24 =	sshra.s32 s25, $0x2  }
0x1c: {  	[tilespmem:s24+$0x90] =	vst v0  }
0x1d: {  	[tilespmem:s24+$0x890] =	vst v1  }
0x1e: {  	[spmem:s4] =	stream.linear.scatter [tilespmem:s17], [sflag:$0x1], $0x800, $0x38;
	[tilespmem:$0x37A0] =	vst v63  }
0x1f: {  	_ =	swait.ge [sflag:s18], $0x800  }
0x20: {  	[sflag:s18] =	ssyncset.done $0x0  }
0x21: {  	[sflag:s18] =	ssyncadd.s32 $0xFFFFF800  }
0x22: {  	[spmem:s5] =	stream.linear.scatter [tilespmem:s17], [sflag:$0x1], $0x800, $0x38;
	[tilespmem:$0x37A0] =	vst v63  }
0x23: {  	_ =	swait.ge [sflag:s18], $0x800  }
0x24: {  	[sflag:s18] =	ssyncset.done $0x0  }
0x25: {  	[sflag:s18] =	ssyncadd.s32 $0xFFFFF800  }
0x26: {  	[spmem:s6] =	stream.linear.scatter [tilespmem:s17], [sflag:$0x1], $0x800, $0x38;
	[tilespmem:$0x37A0] =	vst v63  }
0x27: {  	_ =	swait.ge [sflag:s18], $0x800  }
0x28: {  	[sflag:s18] =	ssyncset.done $0x0  }
0x29: {  	[sflag:s18] =	ssyncadd.s32 $0xFFFFF800  }
0x2a: {  	[spmem:s7] =	stream.linear.scatter [tilespmem:s17], [sflag:$0x1], $0x800, $0x38;
	[tilespmem:$0x37A0] =	vst v63  }
0x2b: {  	_ =	swait.ge [sflag:s18], $0x800  }
0x2c: {  	[sflag:s18] =	ssyncset.done $0x0  }
0x2d: {  	[sflag:s18] =	ssyncadd.s32 $0xFFFFF800  }
0x2e: {  	[spmem:s8] =	stream.linear.scatter [tilespmem:s17], [sflag:$0x1], $0x780, $0x38;
	[tilespmem:$0x37A0] =	vst v63  }
0x2f: {  	_ =	swait.ge [sflag:s18], $0x780  }
0x30: {  	[sflag:s18] =	ssyncset.done $0x0  }
0x31: {  	[sflag:s18] =	ssyncadd.s32 $0xFFFFF880  }
0x32: {  	s23 =	sadd.s32 $0x0, s16;
	[bflag:$0x0] =	sbarrier.arrive $0xFFFF  }
0x33: {  	[tilespmem:s3], [sflag:$0x1] =	stream.linear.gather [hbm4b:s23+s3], $0x80, $0x38;
	[tilespmem:$0x37A0] =	vst v63  }
0x34: {  	_ =	swait.ge [sflag:s18], $0x80  }
0x35: {  	[sflag:s18] =	ssyncset.done $0x0  }
0x36: {  	[sflag:s18] =	ssyncadd.s32 $0xFFFFFF80  }
0x37: {  	[spmem:s2] =	stream.indirect.scatter.add.f32 [tilespmem:s20], [sflag:$0x1], $0x10, s3, s19, $0xb8;
	[tilespmem:$0x37A0] =	vst v63  }
0x38: {  	_ =	swait.ge [sflag:s18], $0x800  }
0x39: {  	s24 =	simm.s32 $0x20;
	s23 =	simm.s32 $0x10;
	[sflag:s18] =	ssyncset.done $0x0  }
.LBB2_4:
0x3a: {  	s25 =	sadd.s32 s23, s16  }
0x3b: {  	[sflag:s18] =	ssyncadd.s32 $0xFFFFF800;
	s23 =	smov.u32 s24;
	s26 =	sadd.s32 $0x10, s24  }
0x3c: {  	[tilespmem:s3], [sflag:$0x1] =	stream.linear.gather [hbm4b:s25+s3], $0x80, $0x38;
	[tilespmem:$0x37A0] =	vst v63  }
0x3d: {  	p0 =	sne.s32 s24, $0x4D0;
	_ =	swait.ge [sflag:s18], $0x80  }
.Ltmp1:
0x3e: {  	[sflag:s18] =	ssyncset.done $0x0;
	(pc) =	sbr.rel @p0 .LBB2_4-.Ltmp1, $4  }
0x3f: {  	[sflag:s18] =	ssyncadd.s32 $0xFFFFFF80  }
0x40: {  	[spmem:s2] =	stream.indirect.scatter.add.f32 [tilespmem:s20], [sflag:$0x1], $0x10, s3, s19, $0xb8;
	[tilespmem:$0x37A0] =	vst v63  }
0x41: {  	_ =	swait.ge [sflag:s18], $0x800  }
0x42: {  	s24 =	smov.u32 s26;
	[sflag:s18] =	ssyncset.done $0x0  }
0x43: {  	s23 =	sadd.s32 s23, s16;
	[sflag:s18] =	ssyncadd.s32 $0xFFFFF800  }
0x44: {  	[tilespmem:s3], [sflag:$0x1] =	stream.linear.gather [hbm4b:s23+s3], $0x80, $0x38;
	[tilespmem:$0x37A0] =	vst v63  }
0x45: {  	_ =	swait.ge [sflag:s18], $0x80  }
0x46: {  	[sflag:s18] =	ssyncset.done $0x0  }
0x47: {  	[sflag:s18] =	ssyncadd.s32 $0xFFFFFF80  }
0x48: {  	[spmem:s2] =	stream.indirect.scatter.add.f32 [tilespmem:s20], [sflag:$0x1], $0x10, s3, s19, $0xb8;
	[tilespmem:$0x37A0] =	vst v63  }
0x49: {  	_ =	swait.ge [sflag:s18], $0x800  }
0x4a: {  	[sflag:s18] =	ssyncset.done $0x0  }
0x4b: {  	[sflag:s18] =	ssyncadd.s32 $0xFFFFF800  }
0x4c: {  	[tilespmem:s19], [sflag:$0x1] =	stream.linear.gather [hbm4b:s9+s3], $0x10, $0x38;
	[tilespmem:$0x37A0] =	vst v63  }
0x4d: {  	_ =	swait.ge [sflag:s18], $0x10  }
0x4e: {  	[sflag:s18] =	ssyncset.done $0x0  }
0x4f: {  	[sflag:s18] =	ssyncadd.s32 $0xFFFFFFF0  }
0x50: {  	[spmem:s2] =	stream.indirect.scatter.add.f32 [tilespmem:s20], [sflag:$0x1], $0x10, s19, s21, $0xb8;
	[tilespmem:$0x37A0] =	vst v63  }
0x51: {  	_ =	swait.ge [sflag:s18], $0x100  }
0x52: {  	[sflag:s18] =	ssyncset.done $0x0  }
0x53: {  	s26 =	sshll.u32 s1, $0x6;
	[sflag:s18] =	ssyncadd.s32 $0xFFFFFF00  }
0x54: {  	s24 =	sshrl.u32 s4, $0x3;
	s23 =	sor.u32 $0x1C01, s26;
	[bflag:$0x0] =	sbarrier.arrive $0xFFFF  }
0x55: {  	[hbm:s10], [sflag:s23] =	dma.local [spmem:s24], $0x100  }
0x56: {  	_ =	swait.ge [sflag:s18], $0x100  }
0x57: {  	[sflag:s18] =	ssyncset.done $0x0  }
0x58: {  	s28 =	sshrl.u32 s5, $0x3;
	[sflag:s18] =	ssyncadd.s32 $0xFFFFFF00  }
0x59: {  	[hbm:s11], [sflag:s23] =	dma.local [spmem:s28], $0x100  }
0x5a: {  	_ =	swait.ge [sflag:s18], $0x100  }
0x5b: {  	[sflag:s18] =	ssyncset.done $0x0  }
0x5c: {  	s29 =	sshrl.u32 s6, $0x3;
	[sflag:s18] =	ssyncadd.s32 $0xFFFFFF00  }
0x5d: {  	[hbm:s12], [sflag:s23] =	dma.local [spmem:s29], $0x100  }
0x5e: {  	_ =	swait.ge [sflag:s18], $0x100  }
0x5f: {  	[sflag:s18] =	ssyncset.done $0x0  }
0x60: {  	s30 =	sshrl.u32 s7, $0x3;
	[sflag:s18] =	ssyncadd.s32 $0xFFFFFF00  }
0x61: {  	[hbm:s13], [sflag:s23] =	dma.local [spmem:s30], $0x100  }
0x62: {  	s22 =	sadd.s32 $0x1, s22;
	_ =	swait.ge [sflag:s18], $0x100  }
0x63: {  	p0 =	sne.s32 s22, s15;
	[sflag:s18] =	ssyncset.done $0x0  }
.Ltmp2:
0x64: {  	s31 =	sshrl.u32 s8, $0x3;
	[sflag:s18] =	ssyncadd.s32 $0xFFFFFF00;
	(pc) =	sbr.rel @p0 .LBB2_1-.Ltmp2, $4  }
0x65: {  	[hbm:s14], [sflag:s23] =	dma.local [spmem:s31], $0xF0  }
0x66: {  	_ =	swait.ge [sflag:s18], $0xF0  }
0x67: {  	[sflag:s18] =	ssyncset.done $0x0  }
0x68: {  	[sflag:s18] =	ssyncadd.s32 $0xFFFFFF10  }
0x69: {  	_ =	sfence.sel $0x180000  }
0x6a: {  	[bflag:$0x0] =	sbarrier.arrive $0xFFFF  }
0x6b: {  	p0 =	sne.s32 s1, $0x0;
	_ =	strace $0x90000047  }
0x6c: {  	s0 =	sadd.s32 @!p0 $0x100000, s0;
	[bflag:$0x2] =	sbarrier.arrive $0xFFFF  }
0x6d: {  	[sflag:s0] =	ssyncadd.tile.s32 @!p0 $0x1;
	_ =	shalt  }
.Lfunc_end2:
_tile_overlayer_lowered:
.L_overlay_start_2:
0x6e: {  	(tag) =	ssettag $0x2  }
0x6f: {  	s0 =	rddreg [dreg:$0x0];
	s2 =	stileid.u32  }
0x70: {  	s1 =	rddreg [dreg:$0x1];
	p0 =	sne.s32 s2, $0x0  }
0x71: {  	s3 =	rddreg [dreg:$0x2];
	[bflag:$0x3] =	sbarrier.arrive $0xFFFF;
	s2 =	simm.s32 @!p0 $0x1C01  }
0x72: {  	[timem:s3], [sflag:s2] =	dma.local @!p0 [hbm:s0], s1  }
0x73: {  	s0 =	simm.s32 @!p0 $0x1  }
0x74: {  	_ =	swait.ge @!p0 [sflag:s0], s1  }
0x75: {  	s1 =	ssub.s32 @!p0 $0x0, s1;
	[sflag:s0] =	ssyncset.done @!p0 $0x0  }
0x76: {  	[sflag:s0] =	ssyncadd.s32 @!p0 s1  }
0x77: {  	[bflag:$0x3] =	sbarrier.arrive $0xFFFF  }
0x78: {  	_ =	shalt  }

</sc_bundles>
